<compile_context>
chip_gen: v7x
topology: tpu7x:2x2x1
jax: 0.10.2.dev20260603
libtpu: 0.0.44.dev20260713+nightly
codegen_flags: <defaults>
</compile_context>

<pallas_src>
import functools

import jax
import jax.numpy as jnp
from jax import lax
from jax.experimental import pallas as pl
from jax.experimental.pallas import tpu as pltpu
from jax.experimental.pallas import tpu_sc as plsc

EMBED_DIM = 64
BATCH = 4096
SEQ_LEN = 200

_info = plsc.get_sparse_core_info()
NC, NS = _info.num_cores, _info.num_subcores
NW = NC * NS
RPW = BATCH // NW

SPLIT = (0, 104, 200)
NB = 4
NBODY = RPW // NB

_mesh = plsc.VectorSubcoreMesh(core_axis_name="c", subcore_axis_name="s")


@functools.partial(
    pl.kernel,
    mesh=_mesh,
    out_type=jax.ShapeDtypeStruct((BATCH, SEQ_LEN, EMBED_DIM), jnp.float32),
    scratch_types=[
        pltpu.VMEM((RPW, SEQ_LEN), jnp.int32),
        pltpu.VMEM((NB, SEQ_LEN, EMBED_DIM), jnp.float32),
        pltpu.SemaphoreType.DMA((NB,)),
        pltpu.SemaphoreType.DMA((NB,)),
    ],
    compiler_params=pltpu.CompilerParams(use_tc_tiling_on_sc=False),
)
def _gather_rows(idx_hbm, table_hbm, out_hbm, idx_all, rows, gsem, ssem):
    wid = lax.axis_index("s") * NC + lax.axis_index("c")
    base = wid * RPW
    pltpu.sync_copy(idx_hbm.at[pl.ds(base, RPW)], idx_all)

    def body(k, carry):
        gathers = []
        for b in range(NB):
            r = k * NB + b

            @pl.when(k > 0)
            def _():
                pltpu.make_async_copy(rows.at[b], out_hbm.at[base + r], ssem.at[b]).wait()

            for lo, hi in zip(SPLIT[:-1], SPLIT[1:]):
                gathers.append(
                    pltpu.async_copy(
                        table_hbm.at[idx_all.at[r, pl.ds(lo, hi - lo)]],
                        rows.at[b, pl.ds(lo, hi - lo)],
                        gsem.at[b],
                    )
                )
        for b in range(NB):
            r = k * NB + b
            for j in range(len(SPLIT) - 1):
                gathers[b * (len(SPLIT) - 1) + j].wait()
            pltpu.async_copy(rows.at[b], out_hbm.at[base + r], ssem.at[b])
        return carry

    lax.fori_loop(0, NBODY, body, 0)

    for b in range(NB):
        r = (NBODY - 1) * NB + b
        pltpu.make_async_copy(rows.at[b], out_hbm.at[base + r], ssem.at[b]).wait()


def kernel(input_ids, table):
    return _gather_rows(input_ids.astype(jnp.int32), table)

# --- scband reference (transcript-rebuilt; emitter-appended) ---
"""Pipeline reference for scband-embedding-90941637525522 (READ-ONLY COPY).

The authoritative reference and input builder live on the scoring server;
editing this copy changes nothing except your own understanding.
"""

import jax, jax.numpy as jnp
import numpy as np

VOCAB = 1000000
EMBED_DIM = 64
BATCH = 4096
SEQ_LEN = 200


def setup_inputs(seed: int = 0) -> dict:
    key = jax.random.key(seed)
    k_table, k_ids = jax.random.split(key)
    # pretrained vectors (config.vectors) -> learned embedding table
    table = jax.random.normal(k_table, (VOCAB, EMBED_DIM), dtype=jnp.float32)
    input_ids = jax.random.randint(k_ids, (BATCH, SEQ_LEN), 0, VOCAB, dtype=jnp.int64)
    return {"input_ids": input_ids, "table": table}


def reference(input_ids, table):
    # nn.Embedding forward: pure row gather from the table
    return jnp.take(table, input_ids, axis=0)

if __name__ == "__main__":
    import jax
    _d = setup_inputs()
    print(jax.jit(kernel)(*tuple(_d.values())))

</pallas_src>

<mosaic_0001>
#map = affine_map<(d0, d1) -> (0, 0)>
#map1 = affine_map<(d0, d1) -> (0, 0, 0)>
module attributes {stable_mosaic.version = 14 : i64} {
  func.func @_gather_rows(%arg0: i32, %arg1: i32, %arg2: memref<4096x200xi32, #tpu.memory_space<hbm>>, %arg3: memref<1000000x64xf32, #tpu.memory_space<hbm>>, %arg4: memref<4096x200x64xf32, #tpu.memory_space<hbm>>, %arg5: memref<128x200xi32, #tpu.memory_space<vmem>>, %arg6: memref<4x200x64xf32, #tpu.memory_space<vmem>>, %arg7: memref<4x!tpu.dma_semaphore, #tpu.memory_space<semaphore_mem>>, %arg8: memref<4x!tpu.dma_semaphore, #tpu.memory_space<semaphore_mem>>) attributes {dimension_semantics = [#tpu.dimension_semantics<core_parallel>, #tpu.dimension_semantics<subcore_parallel>], iteration_bounds = array<i64: 2, 16>, scalar_prefetch = 0 : i64, scratch_operands = 4 : i64, tpu.core_type = #tpu.core_type<sc_vector_subcore>, window_params = [{transform_indices = #map}, {transform_indices = #map}, {transform_indices = #map1}]} {
    %mul3A = arith.constant 2 : i32
    %mul3A_0 = arith.muli %arg1, %mul3A : i32
    %add3A = arith.addi %mul3A_0, %arg0 : i32
    %mul3A_1 = arith.constant 128 : i32
    %mul3A_2 = arith.muli %add3A, %mul3A_1 : i32
    "tpu.region"() ({
      %run_scoped3A = tpu.sem_alloc : memref<!tpu.dma_semaphore, #tpu.memory_space<semaphore_mem>>
      %dma_start3A = arith.constant 0 : i32
      %dma_start3A_95 = tpu.memref_slice %arg2[%mul3A_2, %dma_start3A] : memref<4096x200xi32, #tpu.memory_space<hbm>> -> memref<128x200xi32, #tpu.memory_space<hbm>>
      %dma_start3A_96 = arith.constant 0 : i32
      %dma_start3A_97 = tpu.memref_slice %arg2[%mul3A_2, %dma_start3A_96] : memref<4096x200xi32, #tpu.memory_space<hbm>> -> memref<128x200xi32, #tpu.memory_space<hbm>>
      tpu.enqueue_dma source(%dma_start3A_97 : memref<128x200xi32, #tpu.memory_space<hbm>>) target(%arg5 : memref<128x200xi32, #tpu.memory_space<vmem>>) target_semaphore(%run_scoped3A : memref<!tpu.dma_semaphore, #tpu.memory_space<semaphore_mem>>)
      %dma_wait3A_98 = arith.constant 0 : i32
      %dma_wait3A_99 = tpu.memref_slice %arg2[%mul3A_2, %dma_wait3A_98] : memref<4096x200xi32, #tpu.memory_space<hbm>> -> memref<128x200xi32, #tpu.memory_space<hbm>>
      %dma_wait3A_100 = arith.constant 0 : i32
      %dma_wait3A_101 = tpu.memref_slice %arg2[%mul3A_2, %dma_wait3A_100] : memref<4096x200xi32, #tpu.memory_space<hbm>> -> memref<128x200xi32, #tpu.memory_space<hbm>>
      tpu.wait_dma2 semaphore(%run_scoped3A : memref<!tpu.dma_semaphore, #tpu.memory_space<semaphore_mem>>) src(%dma_wait3A_101 : memref<128x200xi32, #tpu.memory_space<hbm>>) dst(%arg5 : memref<128x200xi32, #tpu.memory_space<vmem>>)
      tpu.yield
    }) : () -> ()
    %scan3A = arith.constant 0 : i32
    %scan3A_3 = arith.constant 0 : i32
    %scan3A_4 = arith.constant 32 : i32
    %scan3A_5 = arith.addi %scan3A_3, %scan3A_4 : i32
    %scan3A_6 = arith.constant 1 : i32
    scf.for %scan3A_95 = %scan3A_3 to %scan3A_5 step %scan3A_6  : i32 {
      %mul3A_96 = arith.constant 4 : i32
      %mul3A_97 = arith.muli %scan3A_95, %mul3A_96 : i32
      %add3A_98 = arith.constant 0 : i32
      %add3A_99 = arith.addi %mul3A_97, %add3A_98 : i32
      %gt3A = arith.constant 0 : i32
      %gt3A_100 = arith.cmpi sgt, %scan3A_95, %gt3A : i32
      %convert_element_type3A = arith.extui %gt3A_100 : i1 to i32
      %cond3A = arith.constant 0 : i32
      %cond3A_101 = arith.cmpi ne, %convert_element_type3A, %cond3A : i32
      scf.if %cond3A_101 {
        %add3A_452 = arith.addi %mul3A_2, %add3A_99 : i32
        %dma_wait3A_453 = arith.constant 0 : i32
        %dma_wait3A_454 = arith.constant 0 : i32
        %dma_wait3A_455 = arith.constant 0 : i32
        %dma_wait3A_456 = arith.constant 0 : i32
        %dma_wait3A_457 = tpu.memref_slice %arg6[%dma_wait3A_453, %dma_wait3A_455, %dma_wait3A_456] : memref<4x200x64xf32, #tpu.memory_space<vmem>> -> memref<1x200x64xf32, #tpu.memory_space<vmem>>
        %dma_wait3A_458 = tpu.memref_squeeze %dma_wait3A_457 : memref<1x200x64xf32, #tpu.memory_space<vmem>> -> memref<200x64xf32, #tpu.memory_space<vmem>>
        %dma_wait3A_459 = arith.constant 0 : i32
        %dma_wait3A_460 = arith.constant 0 : i32
        %dma_wait3A_461 = tpu.memref_slice %arg4[%add3A_452, %dma_wait3A_459, %dma_wait3A_460] : memref<4096x200x64xf32, #tpu.memory_space<hbm>> -> memref<1x200x64xf32, #tpu.memory_space<hbm>>
        %dma_wait3A_462 = tpu.memref_squeeze %dma_wait3A_461 : memref<1x200x64xf32, #tpu.memory_space<hbm>> -> memref<200x64xf32, #tpu.memory_space<hbm>>
        %dma_wait3A_463 = tpu.memref_slice %arg8[%dma_wait3A_454] : memref<4x!tpu.dma_semaphore, #tpu.memory_space<semaphore_mem>> -> memref<1x!tpu.dma_semaphore, #tpu.memory_space<semaphore_mem>>
        %dma_wait3A_464 = tpu.memref_squeeze %dma_wait3A_463 : memref<1x!tpu.dma_semaphore, #tpu.memory_space<semaphore_mem>> -> memref<!tpu.dma_semaphore, #tpu.memory_space<semaphore_mem>>
        %dma_wait3A_465 = arith.constant 0 : i32
        %dma_wait3A_466 = arith.constant 0 : i32
        %dma_wait3A_467 = tpu.memref_slice %arg4[%add3A_452, %dma_wait3A_465, %dma_wait3A_466] : memref<4096x200x64xf32, #tpu.memory_space<hbm>> -> memref<1x200x64xf32, #tpu.memory_space<hbm>>
        %dma_wait3A_468 = tpu.memref_squeeze %dma_wait3A_467 : memref<1x200x64xf32, #tpu.memory_space<hbm>> -> memref<200x64xf32, #tpu.memory_space<hbm>>
        %dma_wait3A_469 = arith.constant 0 : i32
        %dma_wait3A_470 = arith.constant 0 : i32
        %dma_wait3A_471 = tpu.memref_slice %arg6[%dma_wait3A_453, %dma_wait3A_469, %dma_wait3A_470] : memref<4x200x64xf32, #tpu.memory_space<vmem>> -> memref<1x200x64xf32, #tpu.memory_space<vmem>>
        %dma_wait3A_472 = tpu.memref_squeeze %dma_wait3A_471 : memref<1x200x64xf32, #tpu.memory_space<vmem>> -> memref<200x64xf32, #tpu.memory_space<vmem>>
        tpu.wait_dma2 semaphore(%dma_wait3A_464 : memref<!tpu.dma_semaphore, #tpu.memory_space<semaphore_mem>>) src(%dma_wait3A_472 : memref<200x64xf32, #tpu.memory_space<vmem>>) dst(%dma_wait3A_468 : memref<200x64xf32, #tpu.memory_space<hbm>>)
      } else {
      }
      %dma_start3A = arith.constant 0 : i32
      %dma_start3A_102 = arith.constant 0 : i32
      %dma_start3A_103 = arith.constant 0 : i32
      %dma_start3A_104 = arith.constant 0 : i32
      %dma_start3A_105 = tpu.memref_slice %arg6[%dma_start3A, %dma_start3A_103, %dma_start3A_104] : memref<4x200x64xf32, #tpu.memory_space<vmem>> -> memref<1x104x64xf32, #tpu.memory_space<vmem>>
      %dma_start3A_106 = tpu.memref_squeeze %dma_start3A_105 : memref<1x104x64xf32, #tpu.memory_space<vmem>> -> memref<104x64xf32, #tpu.memory_space<vmem>>
      %dma_start3A_107 = arith.constant 0 : i32
      %dma_start3A_108 = tpu.memref_slice %arg5[%add3A_99, %dma_start3A_107] : memref<128x200xi32, #tpu.memory_space<vmem>> -> memref<1x104xi32, #tpu.memory_space<vmem>>
      %dma_start3A_109 = tpu.memref_squeeze %dma_start3A_108 : memref<1x104xi32, #tpu.memory_space<vmem>> -> memref<104xi32, #tpu.memory_space<vmem>>
      %dma_start3A_110 = arith.constant 0 : i32
      %dma_start3A_111 = arith.constant 0 : i32
      %dma_start3A_112 = tpu.memref_slice %arg3[%dma_start3A_110, %dma_start3A_111] : memref<1000000x64xf32, #tpu.memory_space<hbm>> -> memref<1000000x64xf32, #tpu.memory_space<hbm>>
      %dma_start3A_113 = tpu.memref_slice %arg7[%dma_start3A_102] : memref<4x!tpu.dma_semaphore, #tpu.memory_space<semaphore_mem>> -> memref<1x!tpu.dma_semaphore, #tpu.memory_space<semaphore_mem>>
      %dma_start3A_114 = tpu.memref_squeeze %dma_start3A_113 : memref<1x!tpu.dma_semaphore, #tpu.memory_space<semaphore_mem>> -> memref<!tpu.dma_semaphore, #tpu.memory_space<semaphore_mem>>
      tpu.enqueue_indirect_dma source(%dma_start3A_112 : memref<1000000x64xf32, #tpu.memory_space<hbm>>) target(%dma_start3A_106 : memref<104x64xf32, #tpu.memory_space<vmem>>) offsets(%dma_start3A_109 : memref<104xi32, #tpu.memory_space<vmem>>) semaphore(%dma_start3A_114 : memref<!tpu.dma_semaphore, #tpu.memory_space<semaphore_mem>>)
      %dma_start3A_115 = arith.constant 0 : i32
      %dma_start3A_116 = arith.constant 0 : i32
      %dma_start3A_117 = arith.constant 104 : i32
      %dma_start3A_118 = arith.constant 0 : i32
      %dma_start3A_119 = tpu.memref_slice %arg6[%dma_start3A_115, %dma_start3A_117, %dma_start3A_118] : memref<4x200x64xf32, #tpu.memory_space<vmem>> -> memref<1x96x64xf32, #tpu.memory_space<vmem>>
      %dma_start3A_120 = tpu.memref_squeeze %dma_start3A_119 : memref<1x96x64xf32, #tpu.memory_space<vmem>> -> memref<96x64xf32, #tpu.memory_space<vmem>>
      %dma_start3A_121 = arith.constant 104 : i32
      %dma_start3A_122 = tpu.memref_slice %arg5[%add3A_99, %dma_start3A_121] : memref<128x200xi32, #tpu.memory_space<vmem>> -> memref<1x96xi32, #tpu.memory_space<vmem>>
      %dma_start3A_123 = tpu.memref_squeeze %dma_start3A_122 : memref<1x96xi32, #tpu.memory_space<vmem>> -> memref<96xi32, #tpu.memory_space<vmem>>
      %dma_start3A_124 = arith.constant 0 : i32
      %dma_start3A_125 = arith.constant 0 : i32
      %dma_start3A_126 = tpu.memref_slice %arg3[%dma_start3A_124, %dma_start3A_125] : memref<1000000x64xf32, #tpu.memory_space<hbm>> -> memref<1000000x64xf32, #tpu.memory_space<hbm>>
      %dma_start3A_127 = tpu.memref_slice %arg7[%dma_start3A_116] : memref<4x!tpu.dma_semaphore, #tpu.memory_space<semaphore_mem>> -> memref<1x!tpu.dma_semaphore, #tpu.memory_space<semaphore_mem>>
      %dma_start3A_128 = tpu.memref_squeeze %dma_start3A_127 : memref<1x!tpu.dma_semaphore, #tpu.memory_space<semaphore_mem>> -> memref<!tpu.dma_semaphore, #tpu.memory_space<semaphore_mem>>
      tpu.enqueue_indirect_dma source(%dma_start3A_126 : memref<1000000x64xf32, #tpu.memory_space<hbm>>) target(%dma_start3A_120 : memref<96x64xf32, #tpu.memory_space<vmem>>) offsets(%dma_start3A_123 : memref<96xi32, #tpu.memory_space<vmem>>) semaphore(%dma_start3A_128 : memref<!tpu.dma_semaphore, #tpu.memory_space<semaphore_mem>>)
      %mul3A_129 = arith.constant 4 : i32
      %mul3A_130 = arith.muli %scan3A_95, %mul3A_129 : i32
      %add3A_131 = arith.constant 1 : i32
      %add3A_132 = arith.addi %mul3A_130, %add3A_131 : i32
      %gt3A_133 = arith.constant 0 : i32
      %gt3A_134 = arith.cmpi sgt, %scan3A_95, %gt3A_133 : i32
      %convert_element_type3A_135 = arith.extui %gt3A_134 : i1 to i32
      %cond3A_136 = arith.constant 0 : i32
      %cond3A_137 = arith.cmpi ne, %convert_element_type3A_135, %cond3A_136 : i32
      scf.if %cond3A_137 {
        %add3A_452 = arith.addi %mul3A_2, %add3A_132 : i32
        %dma_wait3A_453 = arith.constant 1 : i32
        %dma_wait3A_454 = arith.constant 1 : i32
        %dma_wait3A_455 = arith.constant 0 : i32
        %dma_wait3A_456 = arith.constant 0 : i32
        %dma_wait3A_457 = tpu.memref_slice %arg6[%dma_wait3A_453, %dma_wait3A_455, %dma_wait3A_456] : memref<4x200x64xf32, #tpu.memory_space<vmem>> -> memref<1x200x64xf32, #tpu.memory_space<vmem>>
        %dma_wait3A_458 = tpu.memref_squeeze %dma_wait3A_457 : memref<1x200x64xf32, #tpu.memory_space<vmem>> -> memref<200x64xf32, #tpu.memory_space<vmem>>
        %dma_wait3A_459 = arith.constant 0 : i32
        %dma_wait3A_460 = arith.constant 0 : i32
        %dma_wait3A_461 = tpu.memref_slice %arg4[%add3A_452, %dma_wait3A_459, %dma_wait3A_460] : memref<4096x200x64xf32, #tpu.memory_space<hbm>> -> memref<1x200x64xf32, #tpu.memory_space<hbm>>
        %dma_wait3A_462 = tpu.memref_squeeze %dma_wait3A_461 : memref<1x200x64xf32, #tpu.memory_space<hbm>> -> memref<200x64xf32, #tpu.memory_space<hbm>>
        %dma_wait3A_463 = tpu.memref_slice %arg8[%dma_wait3A_454] : memref<4x!tpu.dma_semaphore, #tpu.memory_space<semaphore_mem>> -> memref<1x!tpu.dma_semaphore, #tpu.memory_space<semaphore_mem>>
        %dma_wait3A_464 = tpu.memref_squeeze %dma_wait3A_463 : memref<1x!tpu.dma_semaphore, #tpu.memory_space<semaphore_mem>> -> memref<!tpu.dma_semaphore, #tpu.memory_space<semaphore_mem>>
        %dma_wait3A_465 = arith.constant 0 : i32
        %dma_wait3A_466 = arith.constant 0 : i32
        %dma_wait3A_467 = tpu.memref_slice %arg4[%add3A_452, %dma_wait3A_465, %dma_wait3A_466] : memref<4096x200x64xf32, #tpu.memory_space<hbm>> -> memref<1x200x64xf32, #tpu.memory_space<hbm>>
        %dma_wait3A_468 = tpu.memref_squeeze %dma_wait3A_467 : memref<1x200x64xf32, #tpu.memory_space<hbm>> -> memref<200x64xf32, #tpu.memory_space<hbm>>
        %dma_wait3A_469 = arith.constant 0 : i32
        %dma_wait3A_470 = arith.constant 0 : i32
        %dma_wait3A_471 = tpu.memref_slice %arg6[%dma_wait3A_453, %dma_wait3A_469, %dma_wait3A_470] : memref<4x200x64xf32, #tpu.memory_space<vmem>> -> memref<1x200x64xf32, #tpu.memory_space<vmem>>
        %dma_wait3A_472 = tpu.memref_squeeze %dma_wait3A_471 : memref<1x200x64xf32, #tpu.memory_space<vmem>> -> memref<200x64xf32, #tpu.memory_space<vmem>>
        tpu.wait_dma2 semaphore(%dma_wait3A_464 : memref<!tpu.dma_semaphore, #tpu.memory_space<semaphore_mem>>) src(%dma_wait3A_472 : memref<200x64xf32, #tpu.memory_space<vmem>>) dst(%dma_wait3A_468 : memref<200x64xf32, #tpu.memory_space<hbm>>)
      } else {
      }
      %dma_start3A_138 = arith.constant 1 : i32
      %dma_start3A_139 = arith.constant 1 : i32
      %dma_start3A_140 = arith.constant 0 : i32
      %dma_start3A_141 = arith.constant 0 : i32
      %dma_start3A_142 = tpu.memref_slice %arg6[%dma_start3A_138, %dma_start3A_140, %dma_start3A_141] : memref<4x200x64xf32, #tpu.memory_space<vmem>> -> memref<1x104x64xf32, #tpu.memory_space<vmem>>
      %dma_start3A_143 = tpu.memref_squeeze %dma_start3A_142 : memref<1x104x64xf32, #tpu.memory_space<vmem>> -> memref<104x64xf32, #tpu.memory_space<vmem>>
      %dma_start3A_144 = arith.constant 0 : i32
      %dma_start3A_145 = tpu.memref_slice %arg5[%add3A_132, %dma_start3A_144] : memref<128x200xi32, #tpu.memory_space<vmem>> -> memref<1x104xi32, #tpu.memory_space<vmem>>
      %dma_start3A_146 = tpu.memref_squeeze %dma_start3A_145 : memref<1x104xi32, #tpu.memory_space<vmem>> -> memref<104xi32, #tpu.memory_space<vmem>>
      %dma_start3A_147 = arith.constant 0 : i32
      %dma_start3A_148 = arith.constant 0 : i32
      %dma_start3A_149 = tpu.memref_slice %arg3[%dma_start3A_147, %dma_start3A_148] : memref<1000000x64xf32, #tpu.memory_space<hbm>> -> memref<1000000x64xf32, #tpu.memory_space<hbm>>
      %dma_start3A_150 = tpu.memref_slice %arg7[%dma_start3A_139] : memref<4x!tpu.dma_semaphore, #tpu.memory_space<semaphore_mem>> -> memref<1x!tpu.dma_semaphore, #tpu.memory_space<semaphore_mem>>
      %dma_start3A_151 = tpu.memref_squeeze %dma_start3A_150 : memref<1x!tpu.dma_semaphore, #tpu.memory_space<semaphore_mem>> -> memref<!tpu.dma_semaphore, #tpu.memory_space<semaphore_mem>>
      tpu.enqueue_indirect_dma source(%dma_start3A_149 : memref<1000000x64xf32, #tpu.memory_space<hbm>>) target(%dma_start3A_143 : memref<104x64xf32, #tpu.memory_space<vmem>>) offsets(%dma_start3A_146 : memref<104xi32, #tpu.memory_space<vmem>>) semaphore(%dma_start3A_151 : memref<!tpu.dma_semaphore, #tpu.memory_space<semaphore_mem>>)
      %dma_start3A_152 = arith.constant 1 : i32
      %dma_start3A_153 = arith.constant 1 : i32
      %dma_start3A_154 = arith.constant 104 : i32
      %dma_start3A_155 = arith.constant 0 : i32
      %dma_start3A_156 = tpu.memref_slice %arg6[%dma_start3A_152, %dma_start3A_154, %dma_start3A_155] : memref<4x200x64xf32, #tpu.memory_space<vmem>> -> memref<1x96x64xf32, #tpu.memory_space<vmem>>
      %dma_start3A_157 = tpu.memref_squeeze %dma_start3A_156 : memref<1x96x64xf32, #tpu.memory_space<vmem>> -> memref<96x64xf32, #tpu.memory_space<vmem>>
      %dma_start3A_158 = arith.constant 104 : i32
      %dma_start3A_159 = tpu.memref_slice %arg5[%add3A_132, %dma_start3A_158] : memref<128x200xi32, #tpu.memory_space<vmem>> -> memref<1x96xi32, #tpu.memory_space<vmem>>
      %dma_start3A_160 = tpu.memref_squeeze %dma_start3A_159 : memref<1x96xi32, #tpu.memory_space<vmem>> -> memref<96xi32, #tpu.memory_space<vmem>>
      %dma_start3A_161 = arith.constant 0 : i32
      %dma_start3A_162 = arith.constant 0 : i32
      %dma_start3A_163 = tpu.memref_slice %arg3[%dma_start3A_161, %dma_start3A_162] : memref<1000000x64xf32, #tpu.memory_space<hbm>> -> memref<1000000x64xf32, #tpu.memory_space<hbm>>
      %dma_start3A_164 = tpu.memref_slice %arg7[%dma_start3A_153] : memref<4x!tpu.dma_semaphore, #tpu.memory_space<semaphore_mem>> -> memref<1x!tpu.dma_semaphore, #tpu.memory_space<semaphore_mem>>
      %dma_start3A_165 = tpu.memref_squeeze %dma_start3A_164 : memref<1x!tpu.dma_semaphore, #tpu.memory_space<semaphore_mem>> -> memref<!tpu.dma_semaphore, #tpu.memory_space<semaphore_mem>>
      tpu.enqueue_indirect_dma source(%dma_start3A_163 : memref<1000000x64xf32, #tpu.memory_space<hbm>>) target(%dma_start3A_157 : memref<96x64xf32, #tpu.memory_space<vmem>>) offsets(%dma_start3A_160 : memref<96xi32, #tpu.memory_space<vmem>>) semaphore(%dma_start3A_165 : memref<!tpu.dma_semaphore, #tpu.memory_space<semaphore_mem>>)
      %mul3A_166 = arith.constant 4 : i32
      %mul3A_167 = arith.muli %scan3A_95, %mul3A_166 : i32
      %add3A_168 = arith.constant 2 : i32
      %add3A_169 = arith.addi %mul3A_167, %add3A_168 : i32
      %gt3A_170 = arith.constant 0 : i32
      %gt3A_171 = arith.cmpi sgt, %scan3A_95, %gt3A_170 : i32
      %convert_element_type3A_172 = arith.extui %gt3A_171 : i1 to i32
      %cond3A_173 = arith.constant 0 : i32
      %cond3A_174 = arith.cmpi ne, %convert_element_type3A_172, %cond3A_173 : i32
      scf.if %cond3A_174 {
        %add3A_452 = arith.addi %mul3A_2, %add3A_169 : i32
        %dma_wait3A_453 = arith.constant 2 : i32
        %dma_wait3A_454 = arith.constant 2 : i32
        %dma_wait3A_455 = arith.constant 0 : i32
        %dma_wait3A_456 = arith.constant 0 : i32
        %dma_wait3A_457 = tpu.memref_slice %arg6[%dma_wait3A_453, %dma_wait3A_455, %dma_wait3A_456] : memref<4x200x64xf32, #tpu.memory_space<vmem>> -> memref<1x200x64xf32, #tpu.memory_space<vmem>>
        %dma_wait3A_458 = tpu.memref_squeeze %dma_wait3A_457 : memref<1x200x64xf32, #tpu.memory_space<vmem>> -> memref<200x64xf32, #tpu.memory_space<vmem>>
        %dma_wait3A_459 = arith.constant 0 : i32
        %dma_wait3A_460 = arith.constant 0 : i32
        %dma_wait3A_461 = tpu.memref_slice %arg4[%add3A_452, %dma_wait3A_459, %dma_wait3A_460] : memref<4096x200x64xf32, #tpu.memory_space<hbm>> -> memref<1x200x64xf32, #tpu.memory_space<hbm>>
        %dma_wait3A_462 = tpu.memref_squeeze %dma_wait3A_461 : memref<1x200x64xf32, #tpu.memory_space<hbm>> -> memref<200x64xf32, #tpu.memory_space<hbm>>
        %dma_wait3A_463 = tpu.memref_slice %arg8[%dma_wait3A_454] : memref<4x!tpu.dma_semaphore, #tpu.memory_space<semaphore_mem>> -> memref<1x!tpu.dma_semaphore, #tpu.memory_space<semaphore_mem>>
        %dma_wait3A_464 = tpu.memref_squeeze %dma_wait3A_463 : memref<1x!tpu.dma_semaphore, #tpu.memory_space<semaphore_mem>> -> memref<!tpu.dma_semaphore, #tpu.memory_space<semaphore_mem>>
        %dma_wait3A_465 = arith.constant 0 : i32
        %dma_wait3A_466 = arith.constant 0 : i32
        %dma_wait3A_467 = tpu.memref_slice %arg4[%add3A_452, %dma_wait3A_465, %dma_wait3A_466] : memref<4096x200x64xf32, #tpu.memory_space<hbm>> -> memref<1x200x64xf32, #tpu.memory_space<hbm>>
        %dma_wait3A_468 = tpu.memref_squeeze %dma_wait3A_467 : memref<1x200x64xf32, #tpu.memory_space<hbm>> -> memref<200x64xf32, #tpu.memory_space<hbm>>
        %dma_wait3A_469 = arith.constant 0 : i32
        %dma_wait3A_470 = arith.constant 0 : i32
        %dma_wait3A_471 = tpu.memref_slice %arg6[%dma_wait3A_453, %dma_wait3A_469, %dma_wait3A_470] : memref<4x200x64xf32, #tpu.memory_space<vmem>> -> memref<1x200x64xf32, #tpu.memory_space<vmem>>
        %dma_wait3A_472 = tpu.memref_squeeze %dma_wait3A_471 : memref<1x200x64xf32, #tpu.memory_space<vmem>> -> memref<200x64xf32, #tpu.memory_space<vmem>>
        tpu.wait_dma2 semaphore(%dma_wait3A_464 : memref<!tpu.dma_semaphore, #tpu.memory_space<semaphore_mem>>) src(%dma_wait3A_472 : memref<200x64xf32, #tpu.memory_space<vmem>>) dst(%dma_wait3A_468 : memref<200x64xf32, #tpu.memory_space<hbm>>)
      } else {
      }
      %dma_start3A_175 = arith.constant 2 : i32
      %dma_start3A_176 = arith.constant 2 : i32
      %dma_start3A_177 = arith.constant 0 : i32
      %dma_start3A_178 = arith.constant 0 : i32
      %dma_start3A_179 = tpu.memref_slice %arg6[%dma_start3A_175, %dma_start3A_177, %dma_start3A_178] : memref<4x200x64xf32, #tpu.memory_space<vmem>> -> memref<1x104x64xf32, #tpu.memory_space<vmem>>
      %dma_start3A_180 = tpu.memref_squeeze %dma_start3A_179 : memref<1x104x64xf32, #tpu.memory_space<vmem>> -> memref<104x64xf32, #tpu.memory_space<vmem>>
      %dma_start3A_181 = arith.constant 0 : i32
      %dma_start3A_182 = tpu.memref_slice %arg5[%add3A_169, %dma_start3A_181] : memref<128x200xi32, #tpu.memory_space<vmem>> -> memref<1x104xi32, #tpu.memory_space<vmem>>
      %dma_start3A_183 = tpu.memref_squeeze %dma_start3A_182 : memref<1x104xi32, #tpu.memory_space<vmem>> -> memref<104xi32, #tpu.memory_space<vmem>>
      %dma_start3A_184 = arith.constant 0 : i32
      %dma_start3A_185 = arith.constant 0 : i32
      %dma_start3A_186 = tpu.memref_slice %arg3[%dma_start3A_184, %dma_start3A_185] : memref<1000000x64xf32, #tpu.memory_space<hbm>> -> memref<1000000x64xf32, #tpu.memory_space<hbm>>
      %dma_start3A_187 = tpu.memref_slice %arg7[%dma_start3A_176] : memref<4x!tpu.dma_semaphore, #tpu.memory_space<semaphore_mem>> -> memref<1x!tpu.dma_semaphore, #tpu.memory_space<semaphore_mem>>
      %dma_start3A_188 = tpu.memref_squeeze %dma_start3A_187 : memref<1x!tpu.dma_semaphore, #tpu.memory_space<semaphore_mem>> -> memref<!tpu.dma_semaphore, #tpu.memory_space<semaphore_mem>>
      tpu.enqueue_indirect_dma source(%dma_start3A_186 : memref<1000000x64xf32, #tpu.memory_space<hbm>>) target(%dma_start3A_180 : memref<104x64xf32, #tpu.memory_space<vmem>>) offsets(%dma_start3A_183 : memref<104xi32, #tpu.memory_space<vmem>>) semaphore(%dma_start3A_188 : memref<!tpu.dma_semaphore, #tpu.memory_space<semaphore_mem>>)
      %dma_start3A_189 = arith.constant 2 : i32
      %dma_start3A_190 = arith.constant 2 : i32
      %dma_start3A_191 = arith.constant 104 : i32
      %dma_start3A_192 = arith.constant 0 : i32
      %dma_start3A_193 = tpu.memref_slice %arg6[%dma_start3A_189, %dma_start3A_191, %dma_start3A_192] : memref<4x200x64xf32, #tpu.memory_space<vmem>> -> memref<1x96x64xf32, #tpu.memory_space<vmem>>
      %dma_start3A_194 = tpu.memref_squeeze %dma_start3A_193 : memref<1x96x64xf32, #tpu.memory_space<vmem>> -> memref<96x64xf32, #tpu.memory_space<vmem>>
      %dma_start3A_195 = arith.constant 104 : i32
      %dma_start3A_196 = tpu.memref_slice %arg5[%add3A_169, %dma_start3A_195] : memref<128x200xi32, #tpu.memory_space<vmem>> -> memref<1x96xi32, #tpu.memory_space<vmem>>
      %dma_start3A_197 = tpu.memref_squeeze %dma_start3A_196 : memref<1x96xi32, #tpu.memory_space<vmem>> -> memref<96xi32, #tpu.memory_space<vmem>>
      %dma_start3A_198 = arith.constant 0 : i32
      %dma_start3A_199 = arith.constant 0 : i32
      %dma_start3A_200 = tpu.memref_slice %arg3[%dma_start3A_198, %dma_start3A_199] : memref<1000000x64xf32, #tpu.memory_space<hbm>> -> memref<1000000x64xf32, #tpu.memory_space<hbm>>
      %dma_start3A_201 = tpu.memref_slice %arg7[%dma_start3A_190] : memref<4x!tpu.dma_semaphore, #tpu.memory_space<semaphore_mem>> -> memref<1x!tpu.dma_semaphore, #tpu.memory_space<semaphore_mem>>
      %dma_start3A_202 = tpu.memref_squeeze %dma_start3A_201 : memref<1x!tpu.dma_semaphore, #tpu.memory_space<semaphore_mem>> -> memref<!tpu.dma_semaphore, #tpu.memory_space<semaphore_mem>>
      tpu.enqueue_indirect_dma source(%dma_start3A_200 : memref<1000000x64xf32, #tpu.memory_space<hbm>>) target(%dma_start3A_194 : memref<96x64xf32, #tpu.memory_space<vmem>>) offsets(%dma_start3A_197 : memref<96xi32, #tpu.memory_space<vmem>>) semaphore(%dma_start3A_202 : memref<!tpu.dma_semaphore, #tpu.memory_space<semaphore_mem>>)
      %mul3A_203 = arith.constant 4 : i32
      %mul3A_204 = arith.muli %scan3A_95, %mul3A_203 : i32
      %add3A_205 = arith.constant 3 : i32
      %add3A_206 = arith.addi %mul3A_204, %add3A_205 : i32
      %gt3A_207 = arith.constant 0 : i32
      %gt3A_208 = arith.cmpi sgt, %scan3A_95, %gt3A_207 : i32
      %convert_element_type3A_209 = arith.extui %gt3A_208 : i1 to i32
      %cond3A_210 = arith.constant 0 : i32
      %cond3A_211 = arith.cmpi ne, %convert_element_type3A_209, %cond3A_210 : i32
      scf.if %cond3A_211 {
        %add3A_452 = arith.addi %mul3A_2, %add3A_206 : i32
        %dma_wait3A_453 = arith.constant 3 : i32
        %dma_wait3A_454 = arith.constant 3 : i32
        %dma_wait3A_455 = arith.constant 0 : i32
        %dma_wait3A_456 = arith.constant 0 : i32
        %dma_wait3A_457 = tpu.memref_slice %arg6[%dma_wait3A_453, %dma_wait3A_455, %dma_wait3A_456] : memref<4x200x64xf32, #tpu.memory_space<vmem>> -> memref<1x200x64xf32, #tpu.memory_space<vmem>>
        %dma_wait3A_458 = tpu.memref_squeeze %dma_wait3A_457 : memref<1x200x64xf32, #tpu.memory_space<vmem>> -> memref<200x64xf32, #tpu.memory_space<vmem>>
        %dma_wait3A_459 = arith.constant 0 : i32
        %dma_wait3A_460 = arith.constant 0 : i32
        %dma_wait3A_461 = tpu.memref_slice %arg4[%add3A_452, %dma_wait3A_459, %dma_wait3A_460] : memref<4096x200x64xf32, #tpu.memory_space<hbm>> -> memref<1x200x64xf32, #tpu.memory_space<hbm>>
        %dma_wait3A_462 = tpu.memref_squeeze %dma_wait3A_461 : memref<1x200x64xf32, #tpu.memory_space<hbm>> -> memref<200x64xf32, #tpu.memory_space<hbm>>
        %dma_wait3A_463 = tpu.memref_slice %arg8[%dma_wait3A_454] : memref<4x!tpu.dma_semaphore, #tpu.memory_space<semaphore_mem>> -> memref<1x!tpu.dma_semaphore, #tpu.memory_space<semaphore_mem>>
        %dma_wait3A_464 = tpu.memref_squeeze %dma_wait3A_463 : memref<1x!tpu.dma_semaphore, #tpu.memory_space<semaphore_mem>> -> memref<!tpu.dma_semaphore, #tpu.memory_space<semaphore_mem>>
        %dma_wait3A_465 = arith.constant 0 : i32
        %dma_wait3A_466 = arith.constant 0 : i32
        %dma_wait3A_467 = tpu.memref_slice %arg4[%add3A_452, %dma_wait3A_465, %dma_wait3A_466] : memref<4096x200x64xf32, #tpu.memory_space<hbm>> -> memref<1x200x64xf32, #tpu.memory_space<hbm>>
        %dma_wait3A_468 = tpu.memref_squeeze %dma_wait3A_467 : memref<1x200x64xf32, #tpu.memory_space<hbm>> -> memref<200x64xf32, #tpu.memory_space<hbm>>
        %dma_wait3A_469 = arith.constant 0 : i32
        %dma_wait3A_470 = arith.constant 0 : i32
        %dma_wait3A_471 = tpu.memref_slice %arg6[%dma_wait3A_453, %dma_wait3A_469, %dma_wait3A_470] : memref<4x200x64xf32, #tpu.memory_space<vmem>> -> memref<1x200x64xf32, #tpu.memory_space<vmem>>
        %dma_wait3A_472 = tpu.memref_squeeze %dma_wait3A_471 : memref<1x200x64xf32, #tpu.memory_space<vmem>> -> memref<200x64xf32, #tpu.memory_space<vmem>>
        tpu.wait_dma2 semaphore(%dma_wait3A_464 : memref<!tpu.dma_semaphore, #tpu.memory_space<semaphore_mem>>) src(%dma_wait3A_472 : memref<200x64xf32, #tpu.memory_space<vmem>>) dst(%dma_wait3A_468 : memref<200x64xf32, #tpu.memory_space<hbm>>)
      } else {
      }
      %dma_start3A_212 = arith.constant 3 : i32
      %dma_start3A_213 = arith.constant 3 : i32
      %dma_start3A_214 = arith.constant 0 : i32
      %dma_start3A_215 = arith.constant 0 : i32
      %dma_start3A_216 = tpu.memref_slice %arg6[%dma_start3A_212, %dma_start3A_214, %dma_start3A_215] : memref<4x200x64xf32, #tpu.memory_space<vmem>> -> memref<1x104x64xf32, #tpu.memory_space<vmem>>
      %dma_start3A_217 = tpu.memref_squeeze %dma_start3A_216 : memref<1x104x64xf32, #tpu.memory_space<vmem>> -> memref<104x64xf32, #tpu.memory_space<vmem>>
      %dma_start3A_218 = arith.constant 0 : i32
      %dma_start3A_219 = tpu.memref_slice %arg5[%add3A_206, %dma_start3A_218] : memref<128x200xi32, #tpu.memory_space<vmem>> -> memref<1x104xi32, #tpu.memory_space<vmem>>
      %dma_start3A_220 = tpu.memref_squeeze %dma_start3A_219 : memref<1x104xi32, #tpu.memory_space<vmem>> -> memref<104xi32, #tpu.memory_space<vmem>>
      %dma_start3A_221 = arith.constant 0 : i32
      %dma_start3A_222 = arith.constant 0 : i32
      %dma_start3A_223 = tpu.memref_slice %arg3[%dma_start3A_221, %dma_start3A_222] : memref<1000000x64xf32, #tpu.memory_space<hbm>> -> memref<1000000x64xf32, #tpu.memory_space<hbm>>
      %dma_start3A_224 = tpu.memref_slice %arg7[%dma_start3A_213] : memref<4x!tpu.dma_semaphore, #tpu.memory_space<semaphore_mem>> -> memref<1x!tpu.dma_semaphore, #tpu.memory_space<semaphore_mem>>
      %dma_start3A_225 = tpu.memref_squeeze %dma_start3A_224 : memref<1x!tpu.dma_semaphore, #tpu.memory_space<semaphore_mem>> -> memref<!tpu.dma_semaphore, #tpu.memory_space<semaphore_mem>>
      tpu.enqueue_indirect_dma source(%dma_start3A_223 : memref<1000000x64xf32, #tpu.memory_space<hbm>>) target(%dma_start3A_217 : memref<104x64xf32, #tpu.memory_space<vmem>>) offsets(%dma_start3A_220 : memref<104xi32, #tpu.memory_space<vmem>>) semaphore(%dma_start3A_225 : memref<!tpu.dma_semaphore, #tpu.memory_space<semaphore_mem>>)
      %dma_start3A_226 = arith.constant 3 : i32
      %dma_start3A_227 = arith.constant 3 : i32
      %dma_start3A_228 = arith.constant 104 : i32
      %dma_start3A_229 = arith.constant 0 : i32
      %dma_start3A_230 = tpu.memref_slice %arg6[%dma_start3A_226, %dma_start3A_228, %dma_start3A_229] : memref<4x200x64xf32, #tpu.memory_space<vmem>> -> memref<1x96x64xf32, #tpu.memory_space<vmem>>
      %dma_start3A_231 = tpu.memref_squeeze %dma_start3A_230 : memref<1x96x64xf32, #tpu.memory_space<vmem>> -> memref<96x64xf32, #tpu.memory_space<vmem>>
      %dma_start3A_232 = arith.constant 104 : i32
      %dma_start3A_233 = tpu.memref_slice %arg5[%add3A_206, %dma_start3A_232] : memref<128x200xi32, #tpu.memory_space<vmem>> -> memref<1x96xi32, #tpu.memory_space<vmem>>
      %dma_start3A_234 = tpu.memref_squeeze %dma_start3A_233 : memref<1x96xi32, #tpu.memory_space<vmem>> -> memref<96xi32, #tpu.memory_space<vmem>>
      %dma_start3A_235 = arith.constant 0 : i32
      %dma_start3A_236 = arith.constant 0 : i32
      %dma_start3A_237 = tpu.memref_slice %arg3[%dma_start3A_235, %dma_start3A_236] : memref<1000000x64xf32, #tpu.memory_space<hbm>> -> memref<1000000x64xf32, #tpu.memory_space<hbm>>
      %dma_start3A_238 = tpu.memref_slice %arg7[%dma_start3A_227] : memref<4x!tpu.dma_semaphore, #tpu.memory_space<semaphore_mem>> -> memref<1x!tpu.dma_semaphore, #tpu.memory_space<semaphore_mem>>
      %dma_start3A_239 = tpu.memref_squeeze %dma_start3A_238 : memref<1x!tpu.dma_semaphore, #tpu.memory_space<semaphore_mem>> -> memref<!tpu.dma_semaphore, #tpu.memory_space<semaphore_mem>>
      tpu.enqueue_indirect_dma source(%dma_start3A_237 : memref<1000000x64xf32, #tpu.memory_space<hbm>>) target(%dma_start3A_231 : memref<96x64xf32, #tpu.memory_space<vmem>>) offsets(%dma_start3A_234 : memref<96xi32, #tpu.memory_space<vmem>>) semaphore(%dma_start3A_239 : memref<!tpu.dma_semaphore, #tpu.memory_space<semaphore_mem>>)
      %mul3A_240 = arith.constant 4 : i32
      %mul3A_241 = arith.muli %scan3A_95, %mul3A_240 : i32
      %add3A_242 = arith.constant 0 : i32
      %add3A_243 = arith.addi %mul3A_241, %add3A_242 : i32
      %dma_wait3A_244 = arith.constant 0 : i32
      %dma_wait3A_245 = arith.constant 0 : i32
      %dma_wait3A_246 = arith.constant 0 : i32
      %dma_wait3A_247 = arith.constant 0 : i32
      %dma_wait3A_248 = tpu.memref_slice %arg6[%dma_wait3A_244, %dma_wait3A_246, %dma_wait3A_247] : memref<4x200x64xf32, #tpu.memory_space<vmem>> -> memref<1x104x64xf32, #tpu.memory_space<vmem>>
      %dma_wait3A_249 = tpu.memref_squeeze %dma_wait3A_248 : memref<1x104x64xf32, #tpu.memory_space<vmem>> -> memref<104x64xf32, #tpu.memory_space<vmem>>
      %dma_wait3A_250 = arith.constant 0 : i32
      %dma_wait3A_251 = tpu.memref_slice %arg5[%add3A_99, %dma_wait3A_250] : memref<128x200xi32, #tpu.memory_space<vmem>> -> memref<1x104xi32, #tpu.memory_space<vmem>>
      %dma_wait3A_252 = tpu.memref_squeeze %dma_wait3A_251 : memref<1x104xi32, #tpu.memory_space<vmem>> -> memref<104xi32, #tpu.memory_space<vmem>>
      %dma_wait3A_253 = arith.constant 0 : i32
      %dma_wait3A_254 = arith.constant 0 : i32
      %dma_wait3A_255 = tpu.memref_slice %arg3[%dma_wait3A_253, %dma_wait3A_254] : memref<1000000x64xf32, #tpu.memory_space<hbm>> -> memref<1000000x64xf32, #tpu.memory_space<hbm>>
      %dma_wait3A_256 = tpu.memref_slice %arg7[%dma_wait3A_245] : memref<4x!tpu.dma_semaphore, #tpu.memory_space<semaphore_mem>> -> memref<1x!tpu.dma_semaphore, #tpu.memory_space<semaphore_mem>>
      %dma_wait3A_257 = tpu.memref_squeeze %dma_wait3A_256 : memref<1x!tpu.dma_semaphore, #tpu.memory_space<semaphore_mem>> -> memref<!tpu.dma_semaphore, #tpu.memory_space<semaphore_mem>>
      tpu.wait_indirect_dma semaphore(%dma_wait3A_257 : memref<!tpu.dma_semaphore, #tpu.memory_space<semaphore_mem>>) src(%dma_wait3A_255 : memref<1000000x64xf32, #tpu.memory_space<hbm>>) dst(%dma_wait3A_249 : memref<104x64xf32, #tpu.memory_space<vmem>>)
      %dma_wait3A_258 = arith.constant 0 : i32
      %dma_wait3A_259 = arith.constant 0 : i32
      %dma_wait3A_260 = arith.constant 104 : i32
      %dma_wait3A_261 = arith.constant 0 : i32
      %dma_wait3A_262 = tpu.memref_slice %arg6[%dma_wait3A_258, %dma_wait3A_260, %dma_wait3A_261] : memref<4x200x64xf32, #tpu.memory_space<vmem>> -> memref<1x96x64xf32, #tpu.memory_space<vmem>>
      %dma_wait3A_263 = tpu.memref_squeeze %dma_wait3A_262 : memref<1x96x64xf32, #tpu.memory_space<vmem>> -> memref<96x64xf32, #tpu.memory_space<vmem>>
      %dma_wait3A_264 = arith.constant 104 : i32
      %dma_wait3A_265 = tpu.memref_slice %arg5[%add3A_99, %dma_wait3A_264] : memref<128x200xi32, #tpu.memory_space<vmem>> -> memref<1x96xi32, #tpu.memory_space<vmem>>
      %dma_wait3A_266 = tpu.memref_squeeze %dma_wait3A_265 : memref<1x96xi32, #tpu.memory_space<vmem>> -> memref<96xi32, #tpu.memory_space<vmem>>
      %dma_wait3A_267 = arith.constant 0 : i32
      %dma_wait3A_268 = arith.constant 0 : i32
      %dma_wait3A_269 = tpu.memref_slice %arg3[%dma_wait3A_267, %dma_wait3A_268] : memref<1000000x64xf32, #tpu.memory_space<hbm>> -> memref<1000000x64xf32, #tpu.memory_space<hbm>>
      %dma_wait3A_270 = tpu.memref_slice %arg7[%dma_wait3A_259] : memref<4x!tpu.dma_semaphore, #tpu.memory_space<semaphore_mem>> -> memref<1x!tpu.dma_semaphore, #tpu.memory_space<semaphore_mem>>
      %dma_wait3A_271 = tpu.memref_squeeze %dma_wait3A_270 : memref<1x!tpu.dma_semaphore, #tpu.memory_space<semaphore_mem>> -> memref<!tpu.dma_semaphore, #tpu.memory_space<semaphore_mem>>
      tpu.wait_indirect_dma semaphore(%dma_wait3A_271 : memref<!tpu.dma_semaphore, #tpu.memory_space<semaphore_mem>>) src(%dma_wait3A_269 : memref<1000000x64xf32, #tpu.memory_space<hbm>>) dst(%dma_wait3A_263 : memref<96x64xf32, #tpu.memory_space<vmem>>)
      %add3A_272 = arith.addi %mul3A_2, %add3A_243 : i32
      %dma_start3A_273 = arith.constant 0 : i32
      %dma_start3A_274 = arith.constant 0 : i32
      %dma_start3A_275 = arith.constant 0 : i32
      %dma_start3A_276 = arith.constant 0 : i32
      %dma_start3A_277 = tpu.memref_slice %arg6[%dma_start3A_273, %dma_start3A_275, %dma_start3A_276] : memref<4x200x64xf32, #tpu.memory_space<vmem>> -> memref<1x200x64xf32, #tpu.memory_space<vmem>>
      %dma_start3A_278 = tpu.memref_squeeze %dma_start3A_277 : memref<1x200x64xf32, #tpu.memory_space<vmem>> -> memref<200x64xf32, #tpu.memory_space<vmem>>
      %dma_start3A_279 = arith.constant 0 : i32
      %dma_start3A_280 = arith.constant 0 : i32
      %dma_start3A_281 = tpu.memref_slice %arg4[%add3A_272, %dma_start3A_279, %dma_start3A_280] : memref<4096x200x64xf32, #tpu.memory_space<hbm>> -> memref<1x200x64xf32, #tpu.memory_space<hbm>>
      %dma_start3A_282 = tpu.memref_squeeze %dma_start3A_281 : memref<1x200x64xf32, #tpu.memory_space<hbm>> -> memref<200x64xf32, #tpu.memory_space<hbm>>
      %dma_start3A_283 = tpu.memref_slice %arg8[%dma_start3A_274] : memref<4x!tpu.dma_semaphore, #tpu.memory_space<semaphore_mem>> -> memref<1x!tpu.dma_semaphore, #tpu.memory_space<semaphore_mem>>
      %dma_start3A_284 = tpu.memref_squeeze %dma_start3A_283 : memref<1x!tpu.dma_semaphore, #tpu.memory_space<semaphore_mem>> -> memref<!tpu.dma_semaphore, #tpu.memory_space<semaphore_mem>>
      %dma_start3A_285 = arith.constant 0 : i32
      %dma_start3A_286 = arith.constant 0 : i32
      %dma_start3A_287 = tpu.memref_slice %arg4[%add3A_272, %dma_start3A_285, %dma_start3A_286] : memref<4096x200x64xf32, #tpu.memory_space<hbm>> -> memref<1x200x64xf32, #tpu.memory_space<hbm>>
      %dma_start3A_288 = tpu.memref_squeeze %dma_start3A_287 : memref<1x200x64xf32, #tpu.memory_space<hbm>> -> memref<200x64xf32, #tpu.memory_space<hbm>>
      %dma_start3A_289 = arith.constant 0 : i32
      %dma_start3A_290 = arith.constant 0 : i32
      %dma_start3A_291 = tpu.memref_slice %arg6[%dma_start3A_273, %dma_start3A_289, %dma_start3A_290] : memref<4x200x64xf32, #tpu.memory_space<vmem>> -> memref<1x200x64xf32, #tpu.memory_space<vmem>>
      %dma_start3A_292 = tpu.memref_squeeze %dma_start3A_291 : memref<1x200x64xf32, #tpu.memory_space<vmem>> -> memref<200x64xf32, #tpu.memory_space<vmem>>
      tpu.enqueue_dma source(%dma_start3A_292 : memref<200x64xf32, #tpu.memory_space<vmem>>) target(%dma_start3A_288 : memref<200x64xf32, #tpu.memory_space<hbm>>) target_semaphore(%dma_start3A_284 : memref<!tpu.dma_semaphore, #tpu.memory_space<semaphore_mem>>)
      %mul3A_293 = arith.constant 4 : i32
      %mul3A_294 = arith.muli %scan3A_95, %mul3A_293 : i32
      %add3A_295 = arith.constant 1 : i32
      %add3A_296 = arith.addi %mul3A_294, %add3A_295 : i32
      %dma_wait3A_297 = arith.constant 1 : i32
      %dma_wait3A_298 = arith.constant 1 : i32
      %dma_wait3A_299 = arith.constant 0 : i32
      %dma_wait3A_300 = arith.constant 0 : i32
      %dma_wait3A_301 = tpu.memref_slice %arg6[%dma_wait3A_297, %dma_wait3A_299, %dma_wait3A_300] : memref<4x200x64xf32, #tpu.memory_space<vmem>> -> memref<1x104x64xf32, #tpu.memory_space<vmem>>
      %dma_wait3A_302 = tpu.memref_squeeze %dma_wait3A_301 : memref<1x104x64xf32, #tpu.memory_space<vmem>> -> memref<104x64xf32, #tpu.memory_space<vmem>>
      %dma_wait3A_303 = arith.constant 0 : i32
      %dma_wait3A_304 = tpu.memref_slice %arg5[%add3A_132, %dma_wait3A_303] : memref<128x200xi32, #tpu.memory_space<vmem>> -> memref<1x104xi32, #tpu.memory_space<vmem>>
      %dma_wait3A_305 = tpu.memref_squeeze %dma_wait3A_304 : memref<1x104xi32, #tpu.memory_space<vmem>> -> memref<104xi32, #tpu.memory_space<vmem>>
      %dma_wait3A_306 = arith.constant 0 : i32
      %dma_wait3A_307 = arith.constant 0 : i32
      %dma_wait3A_308 = tpu.memref_slice %arg3[%dma_wait3A_306, %dma_wait3A_307] : memref<1000000x64xf32, #tpu.memory_space<hbm>> -> memref<1000000x64xf32, #tpu.memory_space<hbm>>
      %dma_wait3A_309 = tpu.memref_slice %arg7[%dma_wait3A_298] : memref<4x!tpu.dma_semaphore, #tpu.memory_space<semaphore_mem>> -> memref<1x!tpu.dma_semaphore, #tpu.memory_space<semaphore_mem>>
      %dma_wait3A_310 = tpu.memref_squeeze %dma_wait3A_309 : memref<1x!tpu.dma_semaphore, #tpu.memory_space<semaphore_mem>> -> memref<!tpu.dma_semaphore, #tpu.memory_space<semaphore_mem>>
      tpu.wait_indirect_dma semaphore(%dma_wait3A_310 : memref<!tpu.dma_semaphore, #tpu.memory_space<semaphore_mem>>) src(%dma_wait3A_308 : memref<1000000x64xf32, #tpu.memory_space<hbm>>) dst(%dma_wait3A_302 : memref<104x64xf32, #tpu.memory_space<vmem>>)
      %dma_wait3A_311 = arith.constant 1 : i32
      %dma_wait3A_312 = arith.constant 1 : i32
      %dma_wait3A_313 = arith.constant 104 : i32
      %dma_wait3A_314 = arith.constant 0 : i32
      %dma_wait3A_315 = tpu.memref_slice %arg6[%dma_wait3A_311, %dma_wait3A_313, %dma_wait3A_314] : memref<4x200x64xf32, #tpu.memory_space<vmem>> -> memref<1x96x64xf32, #tpu.memory_space<vmem>>
      %dma_wait3A_316 = tpu.memref_squeeze %dma_wait3A_315 : memref<1x96x64xf32, #tpu.memory_space<vmem>> -> memref<96x64xf32, #tpu.memory_space<vmem>>
      %dma_wait3A_317 = arith.constant 104 : i32
      %dma_wait3A_318 = tpu.memref_slice %arg5[%add3A_132, %dma_wait3A_317] : memref<128x200xi32, #tpu.memory_space<vmem>> -> memref<1x96xi32, #tpu.memory_space<vmem>>
      %dma_wait3A_319 = tpu.memref_squeeze %dma_wait3A_318 : memref<1x96xi32, #tpu.memory_space<vmem>> -> memref<96xi32, #tpu.memory_space<vmem>>
      %dma_wait3A_320 = arith.constant 0 : i32
      %dma_wait3A_321 = arith.constant 0 : i32
      %dma_wait3A_322 = tpu.memref_slice %arg3[%dma_wait3A_320, %dma_wait3A_321] : memref<1000000x64xf32, #tpu.memory_space<hbm>> -> memref<1000000x64xf32, #tpu.memory_space<hbm>>
      %dma_wait3A_323 = tpu.memref_slice %arg7[%dma_wait3A_312] : memref<4x!tpu.dma_semaphore, #tpu.memory_space<semaphore_mem>> -> memref<1x!tpu.dma_semaphore, #tpu.memory_space<semaphore_mem>>
      %dma_wait3A_324 = tpu.memref_squeeze %dma_wait3A_323 : memref<1x!tpu.dma_semaphore, #tpu.memory_space<semaphore_mem>> -> memref<!tpu.dma_semaphore, #tpu.memory_space<semaphore_mem>>
      tpu.wait_indirect_dma semaphore(%dma_wait3A_324 : memref<!tpu.dma_semaphore, #tpu.memory_space<semaphore_mem>>) src(%dma_wait3A_322 : memref<1000000x64xf32, #tpu.memory_space<hbm>>) dst(%dma_wait3A_316 : memref<96x64xf32, #tpu.memory_space<vmem>>)
      %add3A_325 = arith.addi %mul3A_2, %add3A_296 : i32
      %dma_start3A_326 = arith.constant 1 : i32
      %dma_start3A_327 = arith.constant 1 : i32
      %dma_start3A_328 = arith.constant 0 : i32
      %dma_start3A_329 = arith.constant 0 : i32
      %dma_start3A_330 = tpu.memref_slice %arg6[%dma_start3A_326, %dma_start3A_328, %dma_start3A_329] : memref<4x200x64xf32, #tpu.memory_space<vmem>> -> memref<1x200x64xf32, #tpu.memory_space<vmem>>
      %dma_start3A_331 = tpu.memref_squeeze %dma_start3A_330 : memref<1x200x64xf32, #tpu.memory_space<vmem>> -> memref<200x64xf32, #tpu.memory_space<vmem>>
      %dma_start3A_332 = arith.constant 0 : i32
      %dma_start3A_333 = arith.constant 0 : i32
      %dma_start3A_334 = tpu.memref_slice %arg4[%add3A_325, %dma_start3A_332, %dma_start3A_333] : memref<4096x200x64xf32, #tpu.memory_space<hbm>> -> memref<1x200x64xf32, #tpu.memory_space<hbm>>
      %dma_start3A_335 = tpu.memref_squeeze %dma_start3A_334 : memref<1x200x64xf32, #tpu.memory_space<hbm>> -> memref<200x64xf32, #tpu.memory_space<hbm>>
      %dma_start3A_336 = tpu.memref_slice %arg8[%dma_start3A_327] : memref<4x!tpu.dma_semaphore, #tpu.memory_space<semaphore_mem>> -> memref<1x!tpu.dma_semaphore, #tpu.memory_space<semaphore_mem>>
      %dma_start3A_337 = tpu.memref_squeeze %dma_start3A_336 : memref<1x!tpu.dma_semaphore, #tpu.memory_space<semaphore_mem>> -> memref<!tpu.dma_semaphore, #tpu.memory_space<semaphore_mem>>
      %dma_start3A_338 = arith.constant 0 : i32
      %dma_start3A_339 = arith.constant 0 : i32
      %dma_start3A_340 = tpu.memref_slice %arg4[%add3A_325, %dma_start3A_338, %dma_start3A_339] : memref<4096x200x64xf32, #tpu.memory_space<hbm>> -> memref<1x200x64xf32, #tpu.memory_space<hbm>>
      %dma_start3A_341 = tpu.memref_squeeze %dma_start3A_340 : memref<1x200x64xf32, #tpu.memory_space<hbm>> -> memref<200x64xf32, #tpu.memory_space<hbm>>
      %dma_start3A_342 = arith.constant 0 : i32
      %dma_start3A_343 = arith.constant 0 : i32
      %dma_start3A_344 = tpu.memref_slice %arg6[%dma_start3A_326, %dma_start3A_342, %dma_start3A_343] : memref<4x200x64xf32, #tpu.memory_space<vmem>> -> memref<1x200x64xf32, #tpu.memory_space<vmem>>
      %dma_start3A_345 = tpu.memref_squeeze %dma_start3A_344 : memref<1x200x64xf32, #tpu.memory_space<vmem>> -> memref<200x64xf32, #tpu.memory_space<vmem>>
      tpu.enqueue_dma source(%dma_start3A_345 : memref<200x64xf32, #tpu.memory_space<vmem>>) target(%dma_start3A_341 : memref<200x64xf32, #tpu.memory_space<hbm>>) target_semaphore(%dma_start3A_337 : memref<!tpu.dma_semaphore, #tpu.memory_space<semaphore_mem>>)
      %mul3A_346 = arith.constant 4 : i32
      %mul3A_347 = arith.muli %scan3A_95, %mul3A_346 : i32
      %add3A_348 = arith.constant 2 : i32
      %add3A_349 = arith.addi %mul3A_347, %add3A_348 : i32
      %dma_wait3A_350 = arith.constant 2 : i32
      %dma_wait3A_351 = arith.constant 2 : i32
      %dma_wait3A_352 = arith.constant 0 : i32
      %dma_wait3A_353 = arith.constant 0 : i32
      %dma_wait3A_354 = tpu.memref_slice %arg6[%dma_wait3A_350, %dma_wait3A_352, %dma_wait3A_353] : memref<4x200x64xf32, #tpu.memory_space<vmem>> -> memref<1x104x64xf32, #tpu.memory_space<vmem>>
      %dma_wait3A_355 = tpu.memref_squeeze %dma_wait3A_354 : memref<1x104x64xf32, #tpu.memory_space<vmem>> -> memref<104x64xf32, #tpu.memory_space<vmem>>
      %dma_wait3A_356 = arith.constant 0 : i32
      %dma_wait3A_357 = tpu.memref_slice %arg5[%add3A_169, %dma_wait3A_356] : memref<128x200xi32, #tpu.memory_space<vmem>> -> memref<1x104xi32, #tpu.memory_space<vmem>>
      %dma_wait3A_358 = tpu.memref_squeeze %dma_wait3A_357 : memref<1x104xi32, #tpu.memory_space<vmem>> -> memref<104xi32, #tpu.memory_space<vmem>>
      %dma_wait3A_359 = arith.constant 0 : i32
      %dma_wait3A_360 = arith.constant 0 : i32
      %dma_wait3A_361 = tpu.memref_slice %arg3[%dma_wait3A_359, %dma_wait3A_360] : memref<1000000x64xf32, #tpu.memory_space<hbm>> -> memref<1000000x64xf32, #tpu.memory_space<hbm>>
      %dma_wait3A_362 = tpu.memref_slice %arg7[%dma_wait3A_351] : memref<4x!tpu.dma_semaphore, #tpu.memory_space<semaphore_mem>> -> memref<1x!tpu.dma_semaphore, #tpu.memory_space<semaphore_mem>>
      %dma_wait3A_363 = tpu.memref_squeeze %dma_wait3A_362 : memref<1x!tpu.dma_semaphore, #tpu.memory_space<semaphore_mem>> -> memref<!tpu.dma_semaphore, #tpu.memory_space<semaphore_mem>>
      tpu.wait_indirect_dma semaphore(%dma_wait3A_363 : memref<!tpu.dma_semaphore, #tpu.memory_space<semaphore_mem>>) src(%dma_wait3A_361 : memref<1000000x64xf32, #tpu.memory_space<hbm>>) dst(%dma_wait3A_355 : memref<104x64xf32, #tpu.memory_space<vmem>>)
      %dma_wait3A_364 = arith.constant 2 : i32
      %dma_wait3A_365 = arith.constant 2 : i32
      %dma_wait3A_366 = arith.constant 104 : i32
      %dma_wait3A_367 = arith.constant 0 : i32
      %dma_wait3A_368 = tpu.memref_slice %arg6[%dma_wait3A_364, %dma_wait3A_366, %dma_wait3A_367] : memref<4x200x64xf32, #tpu.memory_space<vmem>> -> memref<1x96x64xf32, #tpu.memory_space<vmem>>
      %dma_wait3A_369 = tpu.memref_squeeze %dma_wait3A_368 : memref<1x96x64xf32, #tpu.memory_space<vmem>> -> memref<96x64xf32, #tpu.memory_space<vmem>>
      %dma_wait3A_370 = arith.constant 104 : i32
      %dma_wait3A_371 = tpu.memref_slice %arg5[%add3A_169, %dma_wait3A_370] : memref<128x200xi32, #tpu.memory_space<vmem>> -> memref<1x96xi32, #tpu.memory_space<vmem>>
      %dma_wait3A_372 = tpu.memref_squeeze %dma_wait3A_371 : memref<1x96xi32, #tpu.memory_space<vmem>> -> memref<96xi32, #tpu.memory_space<vmem>>
      %dma_wait3A_373 = arith.constant 0 : i32
      %dma_wait3A_374 = arith.constant 0 : i32
      %dma_wait3A_375 = tpu.memref_slice %arg3[%dma_wait3A_373, %dma_wait3A_374] : memref<1000000x64xf32, #tpu.memory_space<hbm>> -> memref<1000000x64xf32, #tpu.memory_space<hbm>>
      %dma_wait3A_376 = tpu.memref_slice %arg7[%dma_wait3A_365] : memref<4x!tpu.dma_semaphore, #tpu.memory_space<semaphore_mem>> -> memref<1x!tpu.dma_semaphore, #tpu.memory_space<semaphore_mem>>
      %dma_wait3A_377 = tpu.memref_squeeze %dma_wait3A_376 : memref<1x!tpu.dma_semaphore, #tpu.memory_space<semaphore_mem>> -> memref<!tpu.dma_semaphore, #tpu.memory_space<semaphore_mem>>
      tpu.wait_indirect_dma semaphore(%dma_wait3A_377 : memref<!tpu.dma_semaphore, #tpu.memory_space<semaphore_mem>>) src(%dma_wait3A_375 : memref<1000000x64xf32, #tpu.memory_space<hbm>>) dst(%dma_wait3A_369 : memref<96x64xf32, #tpu.memory_space<vmem>>)
      %add3A_378 = arith.addi %mul3A_2, %add3A_349 : i32
      %dma_start3A_379 = arith.constant 2 : i32
      %dma_start3A_380 = arith.constant 2 : i32
      %dma_start3A_381 = arith.constant 0 : i32
      %dma_start3A_382 = arith.constant 0 : i32
      %dma_start3A_383 = tpu.memref_slice %arg6[%dma_start3A_379, %dma_start3A_381, %dma_start3A_382] : memref<4x200x64xf32, #tpu.memory_space<vmem>> -> memref<1x200x64xf32, #tpu.memory_space<vmem>>
      %dma_start3A_384 = tpu.memref_squeeze %dma_start3A_383 : memref<1x200x64xf32, #tpu.memory_space<vmem>> -> memref<200x64xf32, #tpu.memory_space<vmem>>
      %dma_start3A_385 = arith.constant 0 : i32
      %dma_start3A_386 = arith.constant 0 : i32
      %dma_start3A_387 = tpu.memref_slice %arg4[%add3A_378, %dma_start3A_385, %dma_start3A_386] : memref<4096x200x64xf32, #tpu.memory_space<hbm>> -> memref<1x200x64xf32, #tpu.memory_space<hbm>>
      %dma_start3A_388 = tpu.memref_squeeze %dma_start3A_387 : memref<1x200x64xf32, #tpu.memory_space<hbm>> -> memref<200x64xf32, #tpu.memory_space<hbm>>
      %dma_start3A_389 = tpu.memref_slice %arg8[%dma_start3A_380] : memref<4x!tpu.dma_semaphore, #tpu.memory_space<semaphore_mem>> -> memref<1x!tpu.dma_semaphore, #tpu.memory_space<semaphore_mem>>
      %dma_start3A_390 = tpu.memref_squeeze %dma_start3A_389 : memref<1x!tpu.dma_semaphore, #tpu.memory_space<semaphore_mem>> -> memref<!tpu.dma_semaphore, #tpu.memory_space<semaphore_mem>>
      %dma_start3A_391 = arith.constant 0 : i32
      %dma_start3A_392 = arith.constant 0 : i32
      %dma_start3A_393 = tpu.memref_slice %arg4[%add3A_378, %dma_start3A_391, %dma_start3A_392] : memref<4096x200x64xf32, #tpu.memory_space<hbm>> -> memref<1x200x64xf32, #tpu.memory_space<hbm>>
      %dma_start3A_394 = tpu.memref_squeeze %dma_start3A_393 : memref<1x200x64xf32, #tpu.memory_space<hbm>> -> memref<200x64xf32, #tpu.memory_space<hbm>>
      %dma_start3A_395 = arith.constant 0 : i32
      %dma_start3A_396 = arith.constant 0 : i32
      %dma_start3A_397 = tpu.memref_slice %arg6[%dma_start3A_379, %dma_start3A_395, %dma_start3A_396] : memref<4x200x64xf32, #tpu.memory_space<vmem>> -> memref<1x200x64xf32, #tpu.memory_space<vmem>>
      %dma_start3A_398 = tpu.memref_squeeze %dma_start3A_397 : memref<1x200x64xf32, #tpu.memory_space<vmem>> -> memref<200x64xf32, #tpu.memory_space<vmem>>
      tpu.enqueue_dma source(%dma_start3A_398 : memref<200x64xf32, #tpu.memory_space<vmem>>) target(%dma_start3A_394 : memref<200x64xf32, #tpu.memory_space<hbm>>) target_semaphore(%dma_start3A_390 : memref<!tpu.dma_semaphore, #tpu.memory_space<semaphore_mem>>)
      %mul3A_399 = arith.constant 4 : i32
      %mul3A_400 = arith.muli %scan3A_95, %mul3A_399 : i32
      %add3A_401 = arith.constant 3 : i32
      %add3A_402 = arith.addi %mul3A_400, %add3A_401 : i32
      %dma_wait3A_403 = arith.constant 3 : i32
      %dma_wait3A_404 = arith.constant 3 : i32
      %dma_wait3A_405 = arith.constant 0 : i32
      %dma_wait3A_406 = arith.constant 0 : i32
      %dma_wait3A_407 = tpu.memref_slice %arg6[%dma_wait3A_403, %dma_wait3A_405, %dma_wait3A_406] : memref<4x200x64xf32, #tpu.memory_space<vmem>> -> memref<1x104x64xf32, #tpu.memory_space<vmem>>
      %dma_wait3A_408 = tpu.memref_squeeze %dma_wait3A_407 : memref<1x104x64xf32, #tpu.memory_space<vmem>> -> memref<104x64xf32, #tpu.memory_space<vmem>>
      %dma_wait3A_409 = arith.constant 0 : i32
      %dma_wait3A_410 = tpu.memref_slice %arg5[%add3A_206, %dma_wait3A_409] : memref<128x200xi32, #tpu.memory_space<vmem>> -> memref<1x104xi32, #tpu.memory_space<vmem>>
      %dma_wait3A_411 = tpu.memref_squeeze %dma_wait3A_410 : memref<1x104xi32, #tpu.memory_space<vmem>> -> memref<104xi32, #tpu.memory_space<vmem>>
      %dma_wait3A_412 = arith.constant 0 : i32
      %dma_wait3A_413 = arith.constant 0 : i32
      %dma_wait3A_414 = tpu.memref_slice %arg3[%dma_wait3A_412, %dma_wait3A_413] : memref<1000000x64xf32, #tpu.memory_space<hbm>> -> memref<1000000x64xf32, #tpu.memory_space<hbm>>
      %dma_wait3A_415 = tpu.memref_slice %arg7[%dma_wait3A_404] : memref<4x!tpu.dma_semaphore, #tpu.memory_space<semaphore_mem>> -> memref<1x!tpu.dma_semaphore, #tpu.memory_space<semaphore_mem>>
      %dma_wait3A_416 = tpu.memref_squeeze %dma_wait3A_415 : memref<1x!tpu.dma_semaphore, #tpu.memory_space<semaphore_mem>> -> memref<!tpu.dma_semaphore, #tpu.memory_space<semaphore_mem>>
      tpu.wait_indirect_dma semaphore(%dma_wait3A_416 : memref<!tpu.dma_semaphore, #tpu.memory_space<semaphore_mem>>) src(%dma_wait3A_414 : memref<1000000x64xf32, #tpu.memory_space<hbm>>) dst(%dma_wait3A_408 : memref<104x64xf32, #tpu.memory_space<vmem>>)
      %dma_wait3A_417 = arith.constant 3 : i32
      %dma_wait3A_418 = arith.constant 3 : i32
      %dma_wait3A_419 = arith.constant 104 : i32
      %dma_wait3A_420 = arith.constant 0 : i32
      %dma_wait3A_421 = tpu.memref_slice %arg6[%dma_wait3A_417, %dma_wait3A_419, %dma_wait3A_420] : memref<4x200x64xf32, #tpu.memory_space<vmem>> -> memref<1x96x64xf32, #tpu.memory_space<vmem>>
      %dma_wait3A_422 = tpu.memref_squeeze %dma_wait3A_421 : memref<1x96x64xf32, #tpu.memory_space<vmem>> -> memref<96x64xf32, #tpu.memory_space<vmem>>
      %dma_wait3A_423 = arith.constant 104 : i32
      %dma_wait3A_424 = tpu.memref_slice %arg5[%add3A_206, %dma_wait3A_423] : memref<128x200xi32, #tpu.memory_space<vmem>> -> memref<1x96xi32, #tpu.memory_space<vmem>>
      %dma_wait3A_425 = tpu.memref_squeeze %dma_wait3A_424 : memref<1x96xi32, #tpu.memory_space<vmem>> -> memref<96xi32, #tpu.memory_space<vmem>>
      %dma_wait3A_426 = arith.constant 0 : i32
      %dma_wait3A_427 = arith.constant 0 : i32
      %dma_wait3A_428 = tpu.memref_slice %arg3[%dma_wait3A_426, %dma_wait3A_427] : memref<1000000x64xf32, #tpu.memory_space<hbm>> -> memref<1000000x64xf32, #tpu.memory_space<hbm>>
      %dma_wait3A_429 = tpu.memref_slice %arg7[%dma_wait3A_418] : memref<4x!tpu.dma_semaphore, #tpu.memory_space<semaphore_mem>> -> memref<1x!tpu.dma_semaphore, #tpu.memory_space<semaphore_mem>>
      %dma_wait3A_430 = tpu.memref_squeeze %dma_wait3A_429 : memref<1x!tpu.dma_semaphore, #tpu.memory_space<semaphore_mem>> -> memref<!tpu.dma_semaphore, #tpu.memory_space<semaphore_mem>>
      tpu.wait_indirect_dma semaphore(%dma_wait3A_430 : memref<!tpu.dma_semaphore, #tpu.memory_space<semaphore_mem>>) src(%dma_wait3A_428 : memref<1000000x64xf32, #tpu.memory_space<hbm>>) dst(%dma_wait3A_422 : memref<96x64xf32, #tpu.memory_space<vmem>>)
      %add3A_431 = arith.addi %mul3A_2, %add3A_402 : i32
      %dma_start3A_432 = arith.constant 3 : i32
      %dma_start3A_433 = arith.constant 3 : i32
      %dma_start3A_434 = arith.constant 0 : i32
      %dma_start3A_435 = arith.constant 0 : i32
      %dma_start3A_436 = tpu.memref_slice %arg6[%dma_start3A_432, %dma_start3A_434, %dma_start3A_435] : memref<4x200x64xf32, #tpu.memory_space<vmem>> -> memref<1x200x64xf32, #tpu.memory_space<vmem>>
      %dma_start3A_437 = tpu.memref_squeeze %dma_start3A_436 : memref<1x200x64xf32, #tpu.memory_space<vmem>> -> memref<200x64xf32, #tpu.memory_space<vmem>>
      %dma_start3A_438 = arith.constant 0 : i32
      %dma_start3A_439 = arith.constant 0 : i32
      %dma_start3A_440 = tpu.memref_slice %arg4[%add3A_431, %dma_start3A_438, %dma_start3A_439] : memref<4096x200x64xf32, #tpu.memory_space<hbm>> -> memref<1x200x64xf32, #tpu.memory_space<hbm>>
      %dma_start3A_441 = tpu.memref_squeeze %dma_start3A_440 : memref<1x200x64xf32, #tpu.memory_space<hbm>> -> memref<200x64xf32, #tpu.memory_space<hbm>>
      %dma_start3A_442 = tpu.memref_slice %arg8[%dma_start3A_433] : memref<4x!tpu.dma_semaphore, #tpu.memory_space<semaphore_mem>> -> memref<1x!tpu.dma_semaphore, #tpu.memory_space<semaphore_mem>>
      %dma_start3A_443 = tpu.memref_squeeze %dma_start3A_442 : memref<1x!tpu.dma_semaphore, #tpu.memory_space<semaphore_mem>> -> memref<!tpu.dma_semaphore, #tpu.memory_space<semaphore_mem>>
      %dma_start3A_444 = arith.constant 0 : i32
      %dma_start3A_445 = arith.constant 0 : i32
      %dma_start3A_446 = tpu.memref_slice %arg4[%add3A_431, %dma_start3A_444, %dma_start3A_445] : memref<4096x200x64xf32, #tpu.memory_space<hbm>> -> memref<1x200x64xf32, #tpu.memory_space<hbm>>
      %dma_start3A_447 = tpu.memref_squeeze %dma_start3A_446 : memref<1x200x64xf32, #tpu.memory_space<hbm>> -> memref<200x64xf32, #tpu.memory_space<hbm>>
      %dma_start3A_448 = arith.constant 0 : i32
      %dma_start3A_449 = arith.constant 0 : i32
      %dma_start3A_450 = tpu.memref_slice %arg6[%dma_start3A_432, %dma_start3A_448, %dma_start3A_449] : memref<4x200x64xf32, #tpu.memory_space<vmem>> -> memref<1x200x64xf32, #tpu.memory_space<vmem>>
      %dma_start3A_451 = tpu.memref_squeeze %dma_start3A_450 : memref<1x200x64xf32, #tpu.memory_space<vmem>> -> memref<200x64xf32, #tpu.memory_space<vmem>>
      tpu.enqueue_dma source(%dma_start3A_451 : memref<200x64xf32, #tpu.memory_space<vmem>>) target(%dma_start3A_447 : memref<200x64xf32, #tpu.memory_space<hbm>>) target_semaphore(%dma_start3A_443 : memref<!tpu.dma_semaphore, #tpu.memory_space<semaphore_mem>>)
    }
    %scan3A_7 = arith.constant 32 : i32
    %add3A_8 = arith.constant 124 : i32
    %add3A_9 = arith.addi %mul3A_2, %add3A_8 : i32
    %dma_wait3A = arith.constant 0 : i32
    %dma_wait3A_10 = arith.constant 0 : i32
    %dma_wait3A_11 = arith.constant 0 : i32
    %dma_wait3A_12 = arith.constant 0 : i32
    %dma_wait3A_13 = tpu.memref_slice %arg6[%dma_wait3A, %dma_wait3A_11, %dma_wait3A_12] : memref<4x200x64xf32, #tpu.memory_space<vmem>> -> memref<1x200x64xf32, #tpu.memory_space<vmem>>
    %dma_wait3A_14 = tpu.memref_squeeze %dma_wait3A_13 : memref<1x200x64xf32, #tpu.memory_space<vmem>> -> memref<200x64xf32, #tpu.memory_space<vmem>>
    %dma_wait3A_15 = arith.constant 0 : i32
    %dma_wait3A_16 = arith.constant 0 : i32
    %dma_wait3A_17 = tpu.memref_slice %arg4[%add3A_9, %dma_wait3A_15, %dma_wait3A_16] : memref<4096x200x64xf32, #tpu.memory_space<hbm>> -> memref<1x200x64xf32, #tpu.memory_space<hbm>>
    %dma_wait3A_18 = tpu.memref_squeeze %dma_wait3A_17 : memref<1x200x64xf32, #tpu.memory_space<hbm>> -> memref<200x64xf32, #tpu.memory_space<hbm>>
    %dma_wait3A_19 = tpu.memref_slice %arg8[%dma_wait3A_10] : memref<4x!tpu.dma_semaphore, #tpu.memory_space<semaphore_mem>> -> memref<1x!tpu.dma_semaphore, #tpu.memory_space<semaphore_mem>>
    %dma_wait3A_20 = tpu.memref_squeeze %dma_wait3A_19 : memref<1x!tpu.dma_semaphore, #tpu.memory_space<semaphore_mem>> -> memref<!tpu.dma_semaphore, #tpu.memory_space<semaphore_mem>>
    %dma_wait3A_21 = arith.constant 0 : i32
    %dma_wait3A_22 = arith.constant 0 : i32
    %dma_wait3A_23 = tpu.memref_slice %arg4[%add3A_9, %dma_wait3A_21, %dma_wait3A_22] : memref<4096x200x64xf32, #tpu.memory_space<hbm>> -> memref<1x200x64xf32, #tpu.memory_space<hbm>>
    %dma_wait3A_24 = tpu.memref_squeeze %dma_wait3A_23 : memref<1x200x64xf32, #tpu.memory_space<hbm>> -> memref<200x64xf32, #tpu.memory_space<hbm>>
    %dma_wait3A_25 = arith.constant 0 : i32
    %dma_wait3A_26 = arith.constant 0 : i32
    %dma_wait3A_27 = tpu.memref_slice %arg6[%dma_wait3A, %dma_wait3A_25, %dma_wait3A_26] : memref<4x200x64xf32, #tpu.memory_space<vmem>> -> memref<1x200x64xf32, #tpu.memory_space<vmem>>
    %dma_wait3A_28 = tpu.memref_squeeze %dma_wait3A_27 : memref<1x200x64xf32, #tpu.memory_space<vmem>> -> memref<200x64xf32, #tpu.memory_space<vmem>>
    tpu.wait_dma2 semaphore(%dma_wait3A_20 : memref<!tpu.dma_semaphore, #tpu.memory_space<semaphore_mem>>) src(%dma_wait3A_28 : memref<200x64xf32, #tpu.memory_space<vmem>>) dst(%dma_wait3A_24 : memref<200x64xf32, #tpu.memory_space<hbm>>)
    %add3A_29 = arith.constant 125 : i32
    %add3A_30 = arith.addi %mul3A_2, %add3A_29 : i32
    %dma_wait3A_31 = arith.constant 1 : i32
    %dma_wait3A_32 = arith.constant 1 : i32
    %dma_wait3A_33 = arith.constant 0 : i32
    %dma_wait3A_34 = arith.constant 0 : i32
    %dma_wait3A_35 = tpu.memref_slice %arg6[%dma_wait3A_31, %dma_wait3A_33, %dma_wait3A_34] : memref<4x200x64xf32, #tpu.memory_space<vmem>> -> memref<1x200x64xf32, #tpu.memory_space<vmem>>
    %dma_wait3A_36 = tpu.memref_squeeze %dma_wait3A_35 : memref<1x200x64xf32, #tpu.memory_space<vmem>> -> memref<200x64xf32, #tpu.memory_space<vmem>>
    %dma_wait3A_37 = arith.constant 0 : i32
    %dma_wait3A_38 = arith.constant 0 : i32
    %dma_wait3A_39 = tpu.memref_slice %arg4[%add3A_30, %dma_wait3A_37, %dma_wait3A_38] : memref<4096x200x64xf32, #tpu.memory_space<hbm>> -> memref<1x200x64xf32, #tpu.memory_space<hbm>>
    %dma_wait3A_40 = tpu.memref_squeeze %dma_wait3A_39 : memref<1x200x64xf32, #tpu.memory_space<hbm>> -> memref<200x64xf32, #tpu.memory_space<hbm>>
    %dma_wait3A_41 = tpu.memref_slice %arg8[%dma_wait3A_32] : memref<4x!tpu.dma_semaphore, #tpu.memory_space<semaphore_mem>> -> memref<1x!tpu.dma_semaphore, #tpu.memory_space<semaphore_mem>>
    %dma_wait3A_42 = tpu.memref_squeeze %dma_wait3A_41 : memref<1x!tpu.dma_semaphore, #tpu.memory_space<semaphore_mem>> -> memref<!tpu.dma_semaphore, #tpu.memory_space<semaphore_mem>>
    %dma_wait3A_43 = arith.constant 0 : i32
    %dma_wait3A_44 = arith.constant 0 : i32
    %dma_wait3A_45 = tpu.memref_slice %arg4[%add3A_30, %dma_wait3A_43, %dma_wait3A_44] : memref<4096x200x64xf32, #tpu.memory_space<hbm>> -> memref<1x200x64xf32, #tpu.memory_space<hbm>>
    %dma_wait3A_46 = tpu.memref_squeeze %dma_wait3A_45 : memref<1x200x64xf32, #tpu.memory_space<hbm>> -> memref<200x64xf32, #tpu.memory_space<hbm>>
    %dma_wait3A_47 = arith.constant 0 : i32
    %dma_wait3A_48 = arith.constant 0 : i32
    %dma_wait3A_49 = tpu.memref_slice %arg6[%dma_wait3A_31, %dma_wait3A_47, %dma_wait3A_48] : memref<4x200x64xf32, #tpu.memory_space<vmem>> -> memref<1x200x64xf32, #tpu.memory_space<vmem>>
    %dma_wait3A_50 = tpu.memref_squeeze %dma_wait3A_49 : memref<1x200x64xf32, #tpu.memory_space<vmem>> -> memref<200x64xf32, #tpu.memory_space<vmem>>
    tpu.wait_dma2 semaphore(%dma_wait3A_42 : memref<!tpu.dma_semaphore, #tpu.memory_space<semaphore_mem>>) src(%dma_wait3A_50 : memref<200x64xf32, #tpu.memory_space<vmem>>) dst(%dma_wait3A_46 : memref<200x64xf32, #tpu.memory_space<hbm>>)
    %add3A_51 = arith.constant 126 : i32
    %add3A_52 = arith.addi %mul3A_2, %add3A_51 : i32
    %dma_wait3A_53 = arith.constant 2 : i32
    %dma_wait3A_54 = arith.constant 2 : i32
    %dma_wait3A_55 = arith.constant 0 : i32
    %dma_wait3A_56 = arith.constant 0 : i32
    %dma_wait3A_57 = tpu.memref_slice %arg6[%dma_wait3A_53, %dma_wait3A_55, %dma_wait3A_56] : memref<4x200x64xf32, #tpu.memory_space<vmem>> -> memref<1x200x64xf32, #tpu.memory_space<vmem>>
    %dma_wait3A_58 = tpu.memref_squeeze %dma_wait3A_57 : memref<1x200x64xf32, #tpu.memory_space<vmem>> -> memref<200x64xf32, #tpu.memory_space<vmem>>
    %dma_wait3A_59 = arith.constant 0 : i32
    %dma_wait3A_60 = arith.constant 0 : i32
    %dma_wait3A_61 = tpu.memref_slice %arg4[%add3A_52, %dma_wait3A_59, %dma_wait3A_60] : memref<4096x200x64xf32, #tpu.memory_space<hbm>> -> memref<1x200x64xf32, #tpu.memory_space<hbm>>
    %dma_wait3A_62 = tpu.memref_squeeze %dma_wait3A_61 : memref<1x200x64xf32, #tpu.memory_space<hbm>> -> memref<200x64xf32, #tpu.memory_space<hbm>>
    %dma_wait3A_63 = tpu.memref_slice %arg8[%dma_wait3A_54] : memref<4x!tpu.dma_semaphore, #tpu.memory_space<semaphore_mem>> -> memref<1x!tpu.dma_semaphore, #tpu.memory_space<semaphore_mem>>
    %dma_wait3A_64 = tpu.memref_squeeze %dma_wait3A_63 : memref<1x!tpu.dma_semaphore, #tpu.memory_space<semaphore_mem>> -> memref<!tpu.dma_semaphore, #tpu.memory_space<semaphore_mem>>
    %dma_wait3A_65 = arith.constant 0 : i32
    %dma_wait3A_66 = arith.constant 0 : i32
    %dma_wait3A_67 = tpu.memref_slice %arg4[%add3A_52, %dma_wait3A_65, %dma_wait3A_66] : memref<4096x200x64xf32, #tpu.memory_space<hbm>> -> memref<1x200x64xf32, #tpu.memory_space<hbm>>
    %dma_wait3A_68 = tpu.memref_squeeze %dma_wait3A_67 : memref<1x200x64xf32, #tpu.memory_space<hbm>> -> memref<200x64xf32, #tpu.memory_space<hbm>>
    %dma_wait3A_69 = arith.constant 0 : i32
    %dma_wait3A_70 = arith.constant 0 : i32
    %dma_wait3A_71 = tpu.memref_slice %arg6[%dma_wait3A_53, %dma_wait3A_69, %dma_wait3A_70] : memref<4x200x64xf32, #tpu.memory_space<vmem>> -> memref<1x200x64xf32, #tpu.memory_space<vmem>>
    %dma_wait3A_72 = tpu.memref_squeeze %dma_wait3A_71 : memref<1x200x64xf32, #tpu.memory_space<vmem>> -> memref<200x64xf32, #tpu.memory_space<vmem>>
    tpu.wait_dma2 semaphore(%dma_wait3A_64 : memref<!tpu.dma_semaphore, #tpu.memory_space<semaphore_mem>>) src(%dma_wait3A_72 : memref<200x64xf32, #tpu.memory_space<vmem>>) dst(%dma_wait3A_68 : memref<200x64xf32, #tpu.memory_space<hbm>>)
    %add3A_73 = arith.constant 127 : i32
    %add3A_74 = arith.addi %mul3A_2, %add3A_73 : i32
    %dma_wait3A_75 = arith.constant 3 : i32
    %dma_wait3A_76 = arith.constant 3 : i32
    %dma_wait3A_77 = arith.constant 0 : i32
    %dma_wait3A_78 = arith.constant 0 : i32
    %dma_wait3A_79 = tpu.memref_slice %arg6[%dma_wait3A_75, %dma_wait3A_77, %dma_wait3A_78] : memref<4x200x64xf32, #tpu.memory_space<vmem>> -> memref<1x200x64xf32, #tpu.memory_space<vmem>>
    %dma_wait3A_80 = tpu.memref_squeeze %dma_wait3A_79 : memref<1x200x64xf32, #tpu.memory_space<vmem>> -> memref<200x64xf32, #tpu.memory_space<vmem>>
    %dma_wait3A_81 = arith.constant 0 : i32
    %dma_wait3A_82 = arith.constant 0 : i32
    %dma_wait3A_83 = tpu.memref_slice %arg4[%add3A_74, %dma_wait3A_81, %dma_wait3A_82] : memref<4096x200x64xf32, #tpu.memory_space<hbm>> -> memref<1x200x64xf32, #tpu.memory_space<hbm>>
    %dma_wait3A_84 = tpu.memref_squeeze %dma_wait3A_83 : memref<1x200x64xf32, #tpu.memory_space<hbm>> -> memref<200x64xf32, #tpu.memory_space<hbm>>
    %dma_wait3A_85 = tpu.memref_slice %arg8[%dma_wait3A_76] : memref<4x!tpu.dma_semaphore, #tpu.memory_space<semaphore_mem>> -> memref<1x!tpu.dma_semaphore, #tpu.memory_space<semaphore_mem>>
    %dma_wait3A_86 = tpu.memref_squeeze %dma_wait3A_85 : memref<1x!tpu.dma_semaphore, #tpu.memory_space<semaphore_mem>> -> memref<!tpu.dma_semaphore, #tpu.memory_space<semaphore_mem>>
    %dma_wait3A_87 = arith.constant 0 : i32
    %dma_wait3A_88 = arith.constant 0 : i32
    %dma_wait3A_89 = tpu.memref_slice %arg4[%add3A_74, %dma_wait3A_87, %dma_wait3A_88] : memref<4096x200x64xf32, #tpu.memory_space<hbm>> -> memref<1x200x64xf32, #tpu.memory_space<hbm>>
    %dma_wait3A_90 = tpu.memref_squeeze %dma_wait3A_89 : memref<1x200x64xf32, #tpu.memory_space<hbm>> -> memref<200x64xf32, #tpu.memory_space<hbm>>
    %dma_wait3A_91 = arith.constant 0 : i32
    %dma_wait3A_92 = arith.constant 0 : i32
    %dma_wait3A_93 = tpu.memref_slice %arg6[%dma_wait3A_75, %dma_wait3A_91, %dma_wait3A_92] : memref<4x200x64xf32, #tpu.memory_space<vmem>> -> memref<1x200x64xf32, #tpu.memory_space<vmem>>
    %dma_wait3A_94 = tpu.memref_squeeze %dma_wait3A_93 : memref<1x200x64xf32, #tpu.memory_space<vmem>> -> memref<200x64xf32, #tpu.memory_space<vmem>>
    tpu.wait_dma2 semaphore(%dma_wait3A_86 : memref<!tpu.dma_semaphore, #tpu.memory_space<semaphore_mem>>) src(%dma_wait3A_94 : memref<200x64xf32, #tpu.memory_space<vmem>>) dst(%dma_wait3A_90 : memref<200x64xf32, #tpu.memory_space<hbm>>)
    return
  }
}

</mosaic_0001>

<sc_bundles>
// kernel: kernel.3.cloned.1.call-start
scs
__scs_entry_jumppad:
0x0: {  	(pc) =	sbr.rel $0x88, $3  }
0x1: {  	(tag) =	ssettag $0x0;
	lr =	simm.s32 $0x1  }
0x2: {  	[smem:$0x3F9F] =	sst lr;
	_ =	strace $0xD0000000  }
0x3: {  	_ = 	snop  }
0x4: {  	_ = 	snop  }
0x5: {  	_ = 	snop  }
0x6: {  	_ = 	snop  }
0x7: {  	_ = 	snop  }
__scs_overlays_trampoline_lowered:
0x8: {  	[smem:$0x3FAE] =	sst s0  }
0x9: {  	[smem:$0x3FAF] =	sst s1  }
0xa: {  	[smem:$0x3FB0] =	sst s2  }
0xb: {  	[smem:$0x3FB1] =	sst s3  }
0xc: {  	[smem:$0x3FB2] =	sst s4  }
0xd: {  	[smem:$0x3FB3] =	sst s5  }
0xe: {  	[smem:$0x3FB4] =	sst s6  }
0xf: {  	[smem:$0x3FB5] =	sst s7  }
0x10: {  	[smem:$0x3FB6] =	sst s8  }
0x11: {  	[smem:$0x3FB7] =	sst s9;
	s0 =	simm.s32 @!p0 $0x0  }
0x12: {  	s1 =	sld [smem:$0x3F9D];
	s0 =	simm.s32 @p0 $0x1  }
0x13: {  	[smem:$0x3FB8] =	sst s0;
	s0 =	simm.s32 @!p1 $0x0  }
0x14: {  	s2 =	sld [smem:$0x3F9C];
	s0 =	simm.s32 @p1 $0x1  }
0x15: {  	[smem:$0x3FB9] =	sst s0;
	s0 =	simm.s32 @!p2 $0x0  }
0x16: {  	s3 =	sld [smem:$0x3FDB];
	s0 =	simm.s32 @p2 $0x1  }
0x17: {  	s4 =	simm.s32 $0x1BF5;
	[smem:$0x3FBB] =	sst s0  }
0x18: {  	s0 =	sld [smem:$0x3F9E];
	_ =	swait.ge [sflag:s4], $0x0  }
0x19: {  	s7 =	sld [smem:$0x3F9F]  }
0x1a: {  	s8 =	sadd.s32 $0xFFFFE003, lr  }
0x1b: {  	s9 =	sadd.s32 $0xFFFFFEF7, lr;
	s5 =	simm.s32 $0xFFFFFFFF;
	p2 =	slt.u32 s8, $0xFFFFF086  }
0x1c: {  	p1 =	slt.u32 s9, $0xF7A;
	s5 =	simm.s32 @!p2 $0x0  }
0x1d: {  	s5 =	simm.s32 @p1 $0x1;
	p0 =	seq.s32 s7, s2  }
0x1e: {  	s7 =	smul.u32 @!p0 $0xF7A, s2;
	p2 =	seq.s32 @!p0 s5, $0x0  }
0x1f: {  	s9 =	smul.u32 $0xF7A, s1;
	s8 =	simm.s32 @!p0 $0x1BF5;
	p2 =	por !p2, p0  }
0x20: {  	[sflag:s8] =	ssyncset.s32 @!p0 $0xFFFFF086;
	s6 =	sadd.s32 @!p0 s3, s7;
	s7 =	simm.s32 @!p0 $0x108  }
0x21: {  	s3 =	sadd.s32 s3, s9;
	s6 =	sadd.s32 @!p0 $0x88, s6;
	s7 =	simm.s32 @p2 $0x1082  }
0x22: {  	[simem:s7], [sflag:s8] =	dma.local @!p0 [hbm:s6], $0xF7A  }
0x23: {  	s9 =	sor.u32 $0xD0000000, s2;
	s6 =	simm.s32 $0x108;
	_ =	swait.ge @!p0 [sflag:s8], $0x0  }
0x24: {  	s3 =	sadd.s32 $0x88, s3;
	s6 =	simm.s32 @!p1 $0x1082;
	[sflag:s4] =	ssyncset.s32 $0xFFFFF086  }
0x25: {  	[simem:s6], [sflag:s4] =	dma.local [hbm:s3], $0xF7A  }
0x26: {  	[smem:$0x3F9F] =	sst s1;
	(tag) =	ssettag s2;
	_ =	strace s9  }
0x27: {  	s1 =	sld [smem:$0x3FAF]  }
0x28: {  	s2 =	sld [smem:$0x3FB0]  }
0x29: {  	s4 =	sld [smem:$0x3FB2]  }
0x2a: {  	p0 =	seq.s32 s5, $0x0;
	s5 =	sld [smem:$0x3FB3]  }
0x2b: {  	s6 =	sld [smem:$0x3FB4]  }
0x2c: {  	s7 =	sld [smem:$0x3FB5]  }
0x2d: {  	s3 =	simm.s32 $0x108;
	s8 =	sld [smem:$0x3FB6]  }
0x2e: {  	s3 =	simm.s32 @!p0 $0x1082;
	s9 =	sld [smem:$0x3FB7]  }
0x2f: {  	lr =	sadd.s32 s0, s3;
	s0 =	sld [smem:$0x3FAE]  }
0x30: {  	s3 =	sld [smem:$0x3FB1]  }
0x31: {  	[smem:$0x3FBA] =	sst s10  }
0x32: {  	s10 =	sld [smem:$0x3FB8];
	_ =	sdelay $0x3  }
0x33: {  	p0 =	seq.s32 s10, $0x1;
	s10 =	sld [smem:$0x3FBA];
	_ =	sdelay $0x3  }
0x34: {  	[smem:$0x3FBA] =	sst s10  }
0x35: {  	s10 =	sld [smem:$0x3FB9];
	_ =	sdelay $0x3  }
0x36: {  	p1 =	seq.s32 s10, $0x1;
	s10 =	sld [smem:$0x3FBA];
	_ =	sdelay $0x3  }
0x37: {  	[smem:$0x3FBA] =	sst s10  }
0x38: {  	s10 =	sld [smem:$0x3FBB]  }
0x39: {  	_ = 	snop;
	(pc) =	sbr.ind lr, $3  }
0x3a: {  	_ = 	snop  }
0x3b: {  	_ = 	snop  }
0x3c: {  	p2 =	seq.s32 s10, $0x1;
	s10 =	sld [smem:$0x3FBA]  }
0x3d: {  	_ =	shalt  }
0x3e: {  	_ =	shalt  }
0x3f: {  	_ =	shalt  }
0x40: {  	_ =	shalt  }
0x41: {  	_ =	shalt  }
0x42: {  	_ =	shalt  }
0x43: {  	_ =	shalt  }
0x44: {  	_ =	shalt  }
0x45: {  	_ =	shalt  }
0x46: {  	_ =	shalt  }
0x47: {  	_ =	shalt  }
0x48: {  	_ =	shalt  }
0x49: {  	_ =	shalt  }
0x4a: {  	_ =	shalt  }
0x4b: {  	_ =	shalt  }
0x4c: {  	_ =	shalt  }
0x4d: {  	_ =	shalt  }
0x4e: {  	_ =	shalt  }
0x4f: {  	_ =	shalt  }
0x50: {  	_ =	shalt  }
0x51: {  	_ =	shalt  }
0x52: {  	_ =	shalt  }
0x53: {  	_ =	shalt  }
0x54: {  	_ =	shalt  }
0x55: {  	_ =	shalt  }
0x56: {  	_ =	shalt  }
0x57: {  	_ =	shalt  }
0x58: {  	_ =	shalt  }
0x59: {  	_ =	shalt  }
0x5a: {  	_ =	shalt  }
0x5b: {  	_ =	shalt  }
0x5c: {  	_ =	shalt  }
0x5d: {  	_ =	shalt  }
0x5e: {  	_ =	shalt  }
0x5f: {  	_ =	shalt  }
0x60: {  	_ =	shalt  }
0x61: {  	_ =	shalt  }
0x62: {  	_ =	shalt  }
0x63: {  	_ =	shalt  }
0x64: {  	_ =	shalt  }
0x65: {  	_ =	shalt  }
0x66: {  	_ =	shalt  }
0x67: {  	_ =	shalt  }
0x68: {  	_ =	shalt  }
0x69: {  	_ =	shalt  }
0x6a: {  	_ =	shalt  }
0x6b: {  	_ =	shalt  }
0x6c: {  	_ =	shalt  }
0x6d: {  	_ =	shalt  }
0x6e: {  	_ =	shalt  }
0x6f: {  	_ =	shalt  }
0x70: {  	_ =	shalt  }
0x71: {  	_ =	shalt  }
0x72: {  	_ =	shalt  }
0x73: {  	_ =	shalt  }
0x74: {  	_ =	shalt  }
0x75: {  	_ =	shalt  }
0x76: {  	_ =	shalt  }
0x77: {  	_ =	shalt  }
0x78: {  	_ =	shalt  }
0x79: {  	_ =	shalt  }
0x7a: {  	_ =	shalt  }
0x7b: {  	_ =	shalt  }
0x7c: {  	_ =	shalt  }
0x7d: {  	_ =	shalt  }
0x7e: {  	_ =	shalt  }
0x7f: {  	_ =	shalt  }
0x80: {  	_ =	shalt  }
0x81: {  	_ =	shalt  }
0x82: {  	_ =	shalt  }
0x83: {  	_ =	shalt  }
0x84: {  	_ =	shalt  }
0x85: {  	_ =	shalt  }
0x86: {  	_ =	shalt  }
0x87: {  	_ =	shalt  }
.Lfunc_end0:
.L_simem_size_0:
called_computation.1_lowered:
.L_overlay_start_0:
0x88: {  	s2 =	sld [smem:$0x3FD9]  }
0x89: {  	s3 =	sld [smem:$0x3FFE];
	_ =	sdelay $0x1  }
0x8a: {  	s1 =	srdreg.scid  }
0x8b: {  	s0 =	sand.u32 $0x1, s1  }
0x8c: {  	s17 =	sshll.u32 s0, $0xA;
	s2 =	sadd.s32 s3, s2  }
0x8d: {  	s2 =	sadd.s32 s2, s17  }
0x8e: {  	[smem:$0x3FC6] =	sst s2  }
0x8f: {  	_ = 	snop  }
0x90: {  	s2 =	sld [smem:$0x3FD0];
	(tm) =	ssettm $0x1  }
0x91: {  	s18 =	sld [smem:$0x3FFB];
	_ =	sdelay $0x3  }
0x92: {  	_ =	strace s18  }
0x93: {  	s3 =	sld [smem:$0x3FFC];
	_ =	sdelay $0x3  }
0x94: {  	_ =	strace s3  }
0x95: {  	s3 =	sld [smem:$0x3FFD];
	_ =	sdelay $0x3  }
0x96: {  	_ =	strace s3  }
0x97: {  	_ =	strace $0x8FFFFFFF  }
0x98: {  	s19 =	sld [smem:$0x3FDB];
	_ =	sdelay $0x1  }
0x99: {  	s4 =	simm.s32 $_scs_section_size  }
0x9a: {  	s5 =	simm.s32 $_size__tile_overlayer_lowered;
	s6 =	simm.s32 $_tile_overlayer_lowered  }
0x9b: {  	s22 =	simm.s32 $0x1BFF;
	s21 =	sshll.u32 s6, $0x1;
	s3 =	sadd.s32 s4, s19  }
0x9c: {  	s7 =	simm.s32 $0x0;
	s20 =	sshll.u32 s5, $0x1;
	s5 =	sadd.s32 s21, s3  }
0x9d: {  	[timem:s7], [sflag:s22] =	dma.local [hbm:s5], s20  }
0x9e: {  	_ =	swait.ge [sflag:s22], s20  }
0x9f: {  	s4 =	ssub.s32 $0x0, s20;
	[sflag:s22] =	ssyncset.done $0x0  }
0xa0: {  	[sflag:s22] =	ssyncadd.s32 s4;
	_ =	sdelay $0x1  }
0xa1: {  	s23 =	simm.s32 $0x1B8B  }
0xa2: {  	_ =	swait.ge [sflag:s23], $0x1  }
0xa3: {  	[sflag:s23] =	ssyncset.done $0x0  }
0xa4: {  	s25 =	simm.s32 $0x1B8E;
	s24 =	sld [smem:$0x3FFE];
	[sflag:s23] =	ssyncadd.s32 $0xFFFFFFFF  }
0xa5: {  	s26 =	simm.s32 $execute0_lowered;
	[smem:$0x3FD2] =	sst s25  }
0xa6: {  	s5 =	sshll.u32 s26, $0x1;
	_ =	strace $0x80000046;
	[dreg:$0x1] =	wrdreg $0xFFFFFFFF  }
0xa7: {  	s28 =	simm.s32 $_size_execute0_lowered;
	s3 =	sadd.s32 s3, s5;
	[dreg:$0x0] =	wrdreg $0x0  }
0xa8: {  	s5 =	sshll.u32 s28, $0x1;
	[dreg:$0x2] =	wrdreg s3  }
0xa9: {  	[dreg:$0x3] =	wrdreg s5  }
0xaa: {  	[dreg:$0x4] =	wrdreg $0xC0  }
0xab: {  	_ =	task [dreg:s7], $0x5FFFF  }
0xac: {  	[dreg:$0x1] =	wrdreg $0xFFFFFFFF  }
0xad: {  	[dreg:$0x0] =	wrdreg $0x60  }
0xae: {  	[dreg:$0x2] =	wrdreg s24  }
0xaf: {  	[dreg:$0x3] =	wrdreg s2  }
0xb0: {  	[dreg:$0x4] =	wrdreg $0x9  }
0xb1: {  	_ =	task.clear_ibuf [dreg:s7], $0x5FFFF;
	_ =	strace $0x90000046  }
0xb2: {  	s29 =	simm.s32 $0x9;
	_ =	strace $0x80000048  }
0xb3: {  	_ =	swait.ge [sflag:s29], $0x1  }
0xb4: {  	[sflag:s29] =	ssyncadd.s32 $0xFFFFFFFF  }
0xb5: {  	_ =	strace $0x90000048  }
0xb6: {  	_ =	sfence  }
0xb7: {  	s30 =	sld [smem:$0x0];
	_ =	sdelay $0x2  }
0xb8: {  	s31 =	sshll.u32 s1, $0xD;
	s1 =	sshrl.u32 s1, $0x2  }
0xb9: {  	s3 =	sand.u32 $0x4000, s31;
	s1 =	sadd.s32 s1, s30  }
0xba: {  	s0 =	sor.u32 s3, s0;
	s1 =	sshll.u32 s1, $0x11  }
0xbb: {  	s0 =	sor.u32 s1, s0  }
0xbc: {  	s0 =	sadd.s32 $0x8F2B, s0  }
0xbd: {  	[sflag:s0] =	ssyncadd.remote.s32 $0x1  }
0xbe: {  	_ =	sfence.sel $0xFFFF  }
0xbf: {  	[dreg:$0x0] =	wrdreg $0xFFFFFFFF;
	(pc) =	sbr.abs _section_cstart, $3  }
0xc0: {  	[dreg:$0x1] =	wrdreg $0xFFFFFFFF  }
0xc1: {  	_ =	task.clear_ibuf [dreg:s7], $0x2FFFF;
	_ =	strace $0x9FFFFFFF  }
0xc2: {  	(tm) =	ssettm $0x7FFFFFFF  }
0xc3: {  	_ =	shalt  }
tec
execute0_lowered:
.L_overlay_start_1:
0x0: {  	(tag) =	ssettag $0x1  }
0x1: {  	s1 =	srdreg.scid;
	s5 =	rddreg [dreg:$0x0]  }
0x2: {  	s0 =	stileid.u32;
	s2 =	rddreg [dreg:$0x1]  }
0x3: {  	s3 =	simm.s32 $0x0;
	s10 =	simm.s32 $0x68;
	s30 =	simm.s32 $0x60  }
0x4: {  	s31 =	simm.s32 $0x11400;
	s11 =	simm.s32 $0x6400;
	s12 =	simm.s32 $0x9600  }
0x5: {  	s14 =	simm.s32 $0xC800;
	s13 =	simm.s32 $0x3;
	s15 =	simm.s32 $0x5  }
0x6: {  	s16 =	simm.s32 $0x6;
	s17 =	simm.s32 $0x7;
	s18 =	simm.s32 $0x8  }
0x7: {  	s19 =	simm.s32 $0x0;
	s8 =	sand.u32 $0x1, s1;
	[smem:$0x7FF] =	sst s3  }
0x8: {  	s4 =	sshll.u32 s0, $0x8;
	_ =	strace $0x80000047;
	[dreg:$0x3] =	wrdreg s10  }
0x9: {  	s29 =	smul.u32 $0x64000, s0;
	s6 =	sshll.u32 s8, $0x7;
	[dreg:$0x5] =	wrdreg s30  }
0xa: {  	s7 =	ssub.s32 $0x2, s8;
	s8 =	smul.u32 $0x32000, s8;
	[dreg:$0x4] =	wrdreg s31  }
0xb: {  	s10 =	simm.s32 $0xFA00;
	[dreg:$0x6] =	wrdreg s11;
	s11 =	simm.s32 $0x1  }
0xc: {  	[dreg:$0x7] =	wrdreg s12;
	s12 =	simm.s32 $0x2;
	s4 =	sor.u32 s6, s4  }
0xd: {  	[dreg:$0x8] =	wrdreg s14;
	s9 =	sshrl.u32 s7, $0x1;
	s6 =	smul.u32 $0x19, s4  }
0xe: {  	s14 =	simm.s32 $0x4;
	s7 =	ssub.s32 s7, s9;
	s9 =	sadd.s32 s29, s2  }
0xf: {  	s7 =	smax.u32 s7, $0x1;
	s8 =	sadd.s32 s8, s9;
	s6 =	sadd.s32 s6, s5  }
0x10: {  	s9 =	simm.s32 $0x9;
	s5 =	sadd.s32 $0xF42E00, s5;
	s6 =	sadd.s32 $0xA00, s6  }
.LBB2_1:
0x11: {  	[tilespmem:s3], [sflag:$0x9] =	stream.linear.gather [hbm4b:s6+s3], $0x6400, $0x38;
	[tilespmem:$0x12C00] =	vst v63  }
0x12: {  	_ =	swait.ge [sflag:s9], $0x6400  }
0x13: {  	p0 =	por $0x0, $0x0;
	[sflag:s9] =	ssyncset.done $0x0  }
0x14: {  	s20 =	simm.s32 @p0 $0x5;
	[sflag:s9] =	ssyncadd.s32 $0xFFFF9C00  }
0x15: {  	_ =	swait.ge @p0 [sflag:s20], $0x3200  }
0x16: {  	s21 =	simm.s32 @p0 $0x6;
	s22 =	simm.s32 @p0 $0x6400;
	[sflag:s20] =	ssyncset.done @p0 $0x0  }
0x17: {  	s23 =	simm.s32 @p0 $0x68;
	[sflag:s20] =	ssyncadd.s32 @p0 $0xFFFFCE00;
	s20 =	simm.s32 @p0 $0x0  }
0x18: {  	[tilespmem:s22], [sflag:$0x1] =	stream.indirect.gather @p0 [hbm4b:s5+s23], $0x40, s20, s23, $0xb8;
	[tilespmem:$0x12C00] =	vst v63  }
0x19: {  	s24 =	simm.s32 @p0 $0x60;
	s20 =	simm.s32 @p0 $0x7E00;
	s22 =	simm.s32 @p0 $0x68  }
0x1a: {  	[tilespmem:s20], [sflag:$0x1] =	stream.indirect.gather @p0 [hbm4b:s5+s24], $0x40, s22, s24, $0xb8;
	[tilespmem:$0x12C00] =	vst v63  }
0x1b: {  	_ =	swait.ge @p0 [sflag:s21], $0x3200  }
0x1c: {  	[sflag:s21] =	ssyncset.done @p0 $0x0  }
0x1d: {  	s20 =	simm.s32 @p0 $0xC8;
	[sflag:s21] =	ssyncadd.s32 @p0 $0xFFFFCE00;
	s21 =	simm.s32 @p0 $0x9600  }
0x1e: {  	[tilespmem:s21], [sflag:$0x2] =	stream.indirect.gather @p0 [hbm4b:s5+s23], $0x40, s20, s23, $0xb8;
	[tilespmem:$0x12C00] =	vst v63  }
0x1f: {  	s22 =	simm.s32 @p0 $0x7;
	s20 =	simm.s32 @p0 $0x130;
	s21 =	simm.s32 @p0 $0xB000  }
0x20: {  	[tilespmem:s21], [sflag:$0x2] =	stream.indirect.gather @p0 [hbm4b:s5+s24], $0x40, s20, s24, $0xb8;
	[tilespmem:$0x12C00] =	vst v63  }
0x21: {  	_ =	swait.ge @p0 [sflag:s22], $0x3200  }
0x22: {  	[sflag:s22] =	ssyncset.done @p0 $0x0  }
0x23: {  	s20 =	simm.s32 @p0 $0x190;
	s21 =	simm.s32 @p0 $0xC800;
	[sflag:s22] =	ssyncadd.s32 @p0 $0xFFFFCE00  }
0x24: {  	[tilespmem:s21], [sflag:$0x3] =	stream.indirect.gather @p0 [hbm4b:s5+s23], $0x40, s20, s23, $0xb8;
	[tilespmem:$0x12C00] =	vst v63  }
0x25: {  	s22 =	simm.s32 @p0 $0x8;
	s20 =	simm.s32 @p0 $0x1F8;
	s21 =	simm.s32 @p0 $0xE200  }
0x26: {  	[tilespmem:s21], [sflag:$0x3] =	stream.indirect.gather @p0 [hbm4b:s5+s24], $0x40, s20, s24, $0xb8;
	[tilespmem:$0x12C00] =	vst v63  }
0x27: {  	_ =	swait.ge @p0 [sflag:s22], $0x3200  }
0x28: {  	s20 =	simm.s32 @!p0 $0x6400;
	[sflag:s22] =	ssyncset.done @p0 $0x0  }
0x29: {  	s21 =	simm.s32 @!p0 $0x0;
	[sflag:s22] =	ssyncadd.s32 @p0 $0xFFFFCE00;
	s22 =	simm.s32 @!p0 $0x68  }
0x2a: {  	[tilespmem:s20], [sflag:$0x1] =	stream.indirect.gather @!p0 [hbm4b:s5+s22], $0x40, s21, s22, $0xb8;
	[tilespmem:$0x12C00] =	vst v63  }
0x2b: {  	s23 =	simm.s32 @!p0 $0x7E00;
	s20 =	simm.s32 @!p0 $0x68;
	s21 =	simm.s32 @!p0 $0x60  }
0x2c: {  	[tilespmem:s23], [sflag:$0x1] =	stream.indirect.gather @!p0 [hbm4b:s5+s21], $0x40, s20, s21, $0xb8;
	[tilespmem:$0x12C00] =	vst v63  }
0x2d: {  	s24 =	simm.s32 $0x3;
	s20 =	simm.s32 @!p0 $0xC8;
	s23 =	simm.s32 @!p0 $0x9600  }
0x2e: {  	[tilespmem:s23], [sflag:$0x2] =	stream.indirect.gather @!p0 [hbm4b:s5+s22], $0x40, s20, s22, $0xb8;
	[tilespmem:$0x12C00] =	vst v63  }
0x2f: {  	s25 =	simm.s32 @!p0 $0xB000;
	s24 =	simm.s32 @!p0 $0x3;
	s23 =	simm.s32 @!p0 $0x130  }
0x30: {  	[tilespmem:s25], [sflag:$0x2] =	stream.indirect.gather @!p0 [hbm4b:s5+s21], $0x40, s23, s21, $0xb8;
	[tilespmem:$0x12C00] =	vst v63  }
0x31: {  	s26 =	rddreg [dreg:$0x5];
	s23 =	simm.s32 @!p0 $0x190;
	s25 =	simm.s32 @!p0 $0xC800  }
0x32: {  	[tilespmem:s25], [sflag:$0x3] =	stream.indirect.gather @!p0 [hbm4b:s5+s22], $0x40, s23, s22, $0xb8;
	[tilespmem:$0x12C00] =	vst v63  }
0x33: {  	s31 =	smul.u32 $0x320, s24;
	s20 =	simm.s32 @!p0 $0xE200;
	s22 =	simm.s32 @!p0 $0x1F8  }
0x34: {  	[tilespmem:s20], [sflag:$0x3] =	stream.indirect.gather @!p0 [hbm4b:s5+s21], $0x40, s22, s21, $0xb8;
	[tilespmem:$0x12C00] =	vst v63  }
0x35: {  	s1 =	rddreg [dreg:$0x3];
	s22 =	sshra.s32 s31, $0x2  }
0x36: {  	[tilespmem:s10], [sflag:$0x4] =	stream.indirect.gather [hbm4b:s5+s1], $0x40, s22, s1, $0xb8;
	[tilespmem:$0x12C00] =	vst v63  }
0x37: {  	s23 =	rddreg [dreg:$0x4];
	s20 =	sadd.s32 $0x68, s22  }
0x38: {  	[tilespmem:s23], [sflag:$0x4] =	stream.indirect.gather [hbm4b:s5+s26], $0x40, s20, s26, $0xb8;
	[tilespmem:$0x12C00] =	vst v63  }
0x39: {  	_ =	swait.ge [sflag:s11], $0x1A00  }
0x3a: {  	[sflag:s11] =	ssyncset.done $0x0  }
0x3b: {  	[sflag:s11] =	ssyncadd.s32 $0xFFFFE600  }
0x3c: {  	_ =	swait.ge [sflag:s11], $0x1800  }
0x3d: {  	[sflag:s11] =	ssyncset.done $0x0  }
0x3e: {  	s28 =	rddreg [dreg:$0x6];
	[sflag:s11] =	ssyncadd.s32 $0xFFFFE800  }
0x3f: {  	[hbm4b:s8+s3] =	stream.linear.scatter [tilespmem:s28], [sflag:$0x5], $0x3200, $0x38;
	[tilespmem:$0x12C00] =	vst v63  }
0x40: {  	s20 =	simm.s32 @p0 $0x1;
	_ =	swait.ge [sflag:s12], $0x1A00  }
0x41: {  	s20 =	simm.s32 @!p0 $0x1;
	[sflag:s12] =	ssyncset.done $0x0  }
0x42: {  	s20 =	sadd.s32 s4, s20;
	[sflag:s12] =	ssyncadd.s32 $0xFFFFE600  }
0x43: {  	s20 =	smul.u32 $0x640, s20;
	_ =	swait.ge [sflag:s12], $0x1800  }
0x44: {  	[sflag:s12] =	ssyncset.done $0x0  }
0x45: {  	s20 =	sadd.s32 s2, s20;
	s29 =	rddreg [dreg:$0x7];
	[sflag:s12] =	ssyncadd.s32 $0xFFFFE800  }
0x46: {  	[hbm4b:s20+s3] =	stream.linear.scatter [tilespmem:s29], [sflag:$0x6], $0x3200, $0x38;
	[tilespmem:$0x12C00] =	vst v63  }
0x47: {  	s20 =	simm.s32 @p0 $0x2;
	_ =	swait.ge [sflag:s13], $0x1A00  }
0x48: {  	s20 =	simm.s32 @!p0 $0x2;
	[sflag:s13] =	ssyncset.done $0x0  }
0x49: {  	s20 =	sadd.s32 s4, s20;
	[sflag:s13] =	ssyncadd.s32 $0xFFFFE600  }
0x4a: {  	s20 =	smul.u32 $0x640, s20;
	_ =	swait.ge [sflag:s13], $0x1800  }
0x4b: {  	[sflag:s13] =	ssyncset.done $0x0  }
0x4c: {  	s30 =	rddreg [dreg:$0x8];
	s20 =	sadd.s32 s2, s20;
	[sflag:s13] =	ssyncadd.s32 $0xFFFFE800  }
0x4d: {  	[hbm4b:s20+s3] =	stream.linear.scatter [tilespmem:s30], [sflag:$0x7], $0x3200, $0x38;
	[tilespmem:$0x12C00] =	vst v63  }
0x4e: {  	s31 =	sadd.s32 s4, s24;
	_ =	swait.ge [sflag:s14], $0x1A00  }
0x4f: {  	s24 =	smul.u32 $0x640, s31;
	[sflag:s14] =	ssyncset.done $0x0  }
0x50: {  	s21 =	sadd.s32 $0x1900, s8;
	s22 =	simm.s32 $0x1900;
	[sflag:s14] =	ssyncadd.s32 $0xFFFFE600  }
0x51: {  	s25 =	sadd.s32 s2, s24;
	s23 =	simm.s32 $0xC80;
	_ =	swait.ge [sflag:s14], $0x1800  }
0x52: {  	p0 =	por $0x1, $0x1;
	s20 =	simm.s32 $0x7;
	[sflag:s14] =	ssyncset.done $0x0  }
.LBB2_2:
0x53: {  	s26 =	simm.s32 @p0 $0x5;
	[sflag:s14] =	ssyncadd.s32 $0xFFFFE800  }
0x54: {  	[hbm4b:s25+s3] =	stream.linear.scatter [tilespmem:s10], [sflag:$0x8], $0x3200, $0x38;
	[tilespmem:$0x12C00] =	vst v63  }
0x55: {  	_ =	swait.ge @p0 [sflag:s26], $0x3200  }
0x56: {  	s28 =	simm.s32 @p0 $0x6400;
	s29 =	simm.s32 @p0 $0x7E00;
	[sflag:s26] =	ssyncset.done @p0 $0x0  }
0x57: {  	s30 =	simm.s32 @p0 $0x68;
	[sflag:s26] =	ssyncadd.s32 @p0 $0xFFFFCE00;
	s26 =	sshra.s32 @p0 s23, $0x2  }
0x58: {  	[tilespmem:s28], [sflag:$0x1] =	stream.indirect.gather @p0 [hbm4b:s5+s30], $0x40, s26, s30, $0xb8;
	[tilespmem:$0x12C00] =	vst v63  }
0x59: {  	s31 =	simm.s32 @p0 $0x60;
	s25 =	simm.s32 @p0 $0x6;
	s28 =	sadd.s32 @p0 $0x68, s26  }
0x5a: {  	[tilespmem:s29], [sflag:$0x1] =	stream.indirect.gather @p0 [hbm4b:s5+s31], $0x40, s28, s31, $0xb8;
	[tilespmem:$0x12C00] =	vst v63  }
0x5b: {  	_ =	swait.ge @p0 [sflag:s25], $0x3200  }
0x5c: {  	[sflag:s25] =	ssyncset.done @p0 $0x0  }
0x5d: {  	s1 =	sadd.s32 @p0 $0xC8, s26;
	[sflag:s25] =	ssyncadd.s32 @p0 $0xFFFFCE00;
	s25 =	simm.s32 @p0 $0x9600  }
0x5e: {  	[tilespmem:s25], [sflag:$0x2] =	stream.indirect.gather @p0 [hbm4b:s5+s30], $0x40, s1, s30, $0xb8;
	[tilespmem:$0x12C00] =	vst v63  }
0x5f: {  	s28 =	sadd.s32 @p0 $0x130, s26;
	s1 =	simm.s32 @p0 $0xB000;
	s25 =	simm.s32 @p0 $0x7  }
0x60: {  	[tilespmem:s1], [sflag:$0x2] =	stream.indirect.gather @p0 [hbm4b:s5+s31], $0x40, s28, s31, $0xb8;
	[tilespmem:$0x12C00] =	vst v63  }
0x61: {  	_ =	swait.ge @p0 [sflag:s25], $0x3200  }
0x62: {  	[sflag:s25] =	ssyncset.done @p0 $0x0  }
0x63: {  	s29 =	sadd.s32 @p0 $0x190, s26;
	s1 =	simm.s32 @p0 $0xC800;
	[sflag:s25] =	ssyncadd.s32 @p0 $0xFFFFCE00  }
0x64: {  	[tilespmem:s1], [sflag:$0x3] =	stream.indirect.gather @p0 [hbm4b:s5+s30], $0x40, s29, s30, $0xb8;
	[tilespmem:$0x12C00] =	vst v63  }
0x65: {  	s26 =	sadd.s32 @p0 $0x1F8, s26;
	s25 =	simm.s32 @p0 $0x8;
	s1 =	simm.s32 @p0 $0xE200  }
0x66: {  	[tilespmem:s1], [sflag:$0x3] =	stream.indirect.gather @p0 [hbm4b:s5+s31], $0x40, s26, s31, $0xb8;
	[tilespmem:$0x12C00] =	vst v63  }
0x67: {  	_ =	swait.ge @p0 [sflag:s25], $0x3200  }
0x68: {  	s23 =	sshra.s32 @!p0 s23, $0x2;
	[sflag:s25] =	ssyncset.done @p0 $0x0  }
0x69: {  	s1 =	simm.s32 @!p0 $0x6400;
	[sflag:s25] =	ssyncadd.s32 @p0 $0xFFFFCE00;
	s25 =	simm.s32 @!p0 $0x68  }
0x6a: {  	[tilespmem:s1], [sflag:$0x1] =	stream.indirect.gather @!p0 [hbm4b:s5+s25], $0x40, s23, s25, $0xb8;
	[tilespmem:$0x12C00] =	vst v63  }
0x6b: {  	s26 =	simm.s32 @!p0 $0x7E00;
	s1 =	sadd.s32 @!p0 $0x68, s23;
	s23 =	simm.s32 @!p0 $0x60  }
0x6c: {  	[tilespmem:s26], [sflag:$0x1] =	stream.indirect.gather @!p0 [hbm4b:s5+s23], $0x40, s1, s23, $0xb8;
	[tilespmem:$0x12C00] =	vst v63  }
0x6d: {  	s28 =	simm.s32 @!p0 $0xE200;
	s1 =	simm.s32 @!p0 $0xC8;
	s26 =	simm.s32 @!p0 $0x9600  }
0x6e: {  	[tilespmem:s26], [sflag:$0x2] =	stream.indirect.gather @!p0 [hbm4b:s5+s25], $0x40, s1, s25, $0xb8;
	[tilespmem:$0x12C00] =	vst v63  }
0x6f: {  	s29 =	smov.u32 s20;
	s1 =	simm.s32 @!p0 $0x130;
	s26 =	simm.s32 @!p0 $0xB000  }
0x70: {  	[tilespmem:s26], [sflag:$0x2] =	stream.indirect.gather @!p0 [hbm4b:s5+s23], $0x40, s1, s23, $0xb8;
	[tilespmem:$0x12C00] =	vst v63  }
0x71: {  	s29 =	simm.s32 @!p0 $0x3;
	s1 =	simm.s32 @!p0 $0x190;
	s26 =	simm.s32 @!p0 $0xC800  }
0x72: {  	[tilespmem:s26], [sflag:$0x3] =	stream.indirect.gather @!p0 [hbm4b:s5+s25], $0x40, s1, s25, $0xb8;
	[tilespmem:$0x12C00] =	vst v63  }
0x73: {  	s31 =	smul.u32 $0x320, s29;
	s30 =	rddreg [dreg:$0x5];
	s1 =	simm.s32 @!p0 $0x1F8  }
0x74: {  	[tilespmem:s28], [sflag:$0x3] =	stream.indirect.gather @!p0 [hbm4b:s5+s23], $0x40, s1, s23, $0xb8;
	[tilespmem:$0x12C00] =	vst v63  }
0x75: {  	s26 =	rddreg [dreg:$0x3];
	s23 =	sshra.s32 s31, $0x2  }
0x76: {  	[tilespmem:s10], [sflag:$0x4] =	stream.indirect.gather [hbm4b:s5+s26], $0x40, s23, s26, $0xb8;
	[tilespmem:$0x12C00] =	vst v63  }
0x77: {  	s31 =	rddreg [dreg:$0x4];
	s1 =	sadd.s32 $0x68, s23  }
0x78: {  	[tilespmem:s31], [sflag:$0x4] =	stream.indirect.gather [hbm4b:s5+s30], $0x40, s1, s30, $0xb8;
	[tilespmem:$0x12C00] =	vst v63  }
0x79: {  	_ =	swait.ge [sflag:s11], $0x1A00  }
0x7a: {  	[sflag:s11] =	ssyncset.done $0x0  }
0x7b: {  	[sflag:s11] =	ssyncadd.s32 $0xFFFFE600  }
0x7c: {  	_ =	swait.ge [sflag:s11], $0x1800  }
0x7d: {  	[sflag:s11] =	ssyncset.done $0x0  }
0x7e: {  	s25 =	sadd.s32 s4, s29;
	s29 =	rddreg [dreg:$0x6];
	[sflag:s11] =	ssyncadd.s32 $0xFFFFE800  }
0x7f: {  	[hbm4b:s21+s3] =	stream.linear.scatter [tilespmem:s29], [sflag:$0x5], $0x3200, $0x38;
	[tilespmem:$0x12C00] =	vst v63  }
0x80: {  	s1 =	sadd.s32 @p0 $0xFFFFFFFE, s20;
	_ =	swait.ge [sflag:s12], $0x1A00  }
0x81: {  	s1 =	simm.s32 @!p0 $0x1;
	[sflag:s12] =	ssyncset.done $0x0  }
0x82: {  	s1 =	sadd.s32 s4, s1;
	[sflag:s12] =	ssyncadd.s32 $0xFFFFE600  }
0x83: {  	s1 =	smul.u32 $0x640, s1;
	_ =	swait.ge [sflag:s12], $0x1800  }
0x84: {  	[sflag:s12] =	ssyncset.done $0x0  }
0x85: {  	s1 =	sadd.s32 s2, s1;
	s30 =	rddreg [dreg:$0x7];
	[sflag:s12] =	ssyncadd.s32 $0xFFFFE800  }
0x86: {  	[hbm4b:s1+s3] =	stream.linear.scatter [tilespmem:s30], [sflag:$0x6], $0x3200, $0x38;
	[tilespmem:$0x12C00] =	vst v63  }
0x87: {  	s1 =	sadd.s32 @p0 $0xFFFFFFFF, s20;
	_ =	swait.ge [sflag:s13], $0x1A00  }
0x88: {  	s1 =	simm.s32 @!p0 $0x2;
	[sflag:s13] =	ssyncset.done $0x0  }
0x89: {  	s24 =	smov.u32 s22;
	s1 =	sadd.s32 s4, s1;
	[sflag:s13] =	ssyncadd.s32 $0xFFFFE600  }
0x8a: {  	s22 =	sadd.s32 $0xC80, s22;
	s1 =	smul.u32 $0x640, s1;
	_ =	swait.ge [sflag:s13], $0x1800  }
0x8b: {  	p1 =	sne.s32 s22, $0x19000;
	[sflag:s13] =	ssyncset.done $0x0  }
0x8c: {  	s31 =	rddreg [dreg:$0x8];
	s1 =	sadd.s32 s2, s1;
	[sflag:s13] =	ssyncadd.s32 $0xFFFFE800  }
0x8d: {  	[hbm4b:s1+s3] =	stream.linear.scatter [tilespmem:s31], [sflag:$0x7], $0x3200, $0x38;
	[tilespmem:$0x12C00] =	vst v63  }
.Ltmp0:
0x8e: {  	_ =	swait.ge [sflag:s14], $0x1A00;
	(pc) =	sbr.rel @p1 .LBB2_2-.Ltmp0, $4  }
0x8f: {  	s26 =	smul.u32 $0x640, s25;
	[sflag:s14] =	ssyncset.done $0x0  }
0x90: {  	s23 =	smov.u32 s24;
	[sflag:s14] =	ssyncadd.s32 $0xFFFFE600  }
0x91: {  	s25 =	sadd.s32 s2, s26;
	s21 =	sadd.s32 $0x1900, s21;
	_ =	swait.ge [sflag:s14], $0x1800  }
0x92: {  	s20 =	sadd.s32 $0x4, s20;
	p0 =	sne.s32 s23, $0x0;
	[sflag:s14] =	ssyncset.done $0x0  }
0x93: {  	s1 =	simm.s32 @p0 $0x5;
	[sflag:s14] =	ssyncadd.s32 $0xFFFFE800  }
0x94: {  	[hbm4b:s25+s3] =	stream.linear.scatter [tilespmem:s10], [sflag:$0x8], $0x3200, $0x38;
	[tilespmem:$0x12C00] =	vst v63  }
0x95: {  	_ =	swait.ge @p0 [sflag:s1], $0x3200  }
0x96: {  	s22 =	simm.s32 @p0 $0x6;
	s24 =	simm.s32 @p0 $0x6400;
	[sflag:s1] =	ssyncset.done @p0 $0x0  }
0x97: {  	s25 =	simm.s32 @p0 $0x68;
	[sflag:s1] =	ssyncadd.s32 @p0 $0xFFFFCE00;
	s1 =	sshra.s32 @p0 s23, $0x2  }
0x98: {  	[tilespmem:s24], [sflag:$0x1] =	stream.indirect.gather @p0 [hbm4b:s5+s25], $0x40, s1, s25, $0xb8;
	[tilespmem:$0x12C00] =	vst v63  }
0x99: {  	s28 =	simm.s32 @p0 $0x60;
	s24 =	simm.s32 @p0 $0x7E00;
	s26 =	sadd.s32 @p0 $0x68, s1  }
0x9a: {  	[tilespmem:s24], [sflag:$0x1] =	stream.indirect.gather @p0 [hbm4b:s5+s28], $0x40, s26, s28, $0xb8;
	[tilespmem:$0x12C00] =	vst v63  }
0x9b: {  	_ =	swait.ge @p0 [sflag:s22], $0x3200  }
0x9c: {  	[sflag:s22] =	ssyncset.done @p0 $0x0  }
0x9d: {  	s24 =	sadd.s32 @p0 $0xC8, s1;
	[sflag:s22] =	ssyncadd.s32 @p0 $0xFFFFCE00;
	s22 =	simm.s32 @p0 $0x9600  }
0x9e: {  	[tilespmem:s22], [sflag:$0x2] =	stream.indirect.gather @p0 [hbm4b:s5+s25], $0x40, s24, s25, $0xb8;
	[tilespmem:$0x12C00] =	vst v63  }
0x9f: {  	s26 =	simm.s32 @p0 $0x7;
	s22 =	sadd.s32 @p0 $0x130, s1;
	s24 =	simm.s32 @p0 $0xB000  }
0xa0: {  	[tilespmem:s24], [sflag:$0x2] =	stream.indirect.gather @p0 [hbm4b:s5+s28], $0x40, s22, s28, $0xb8;
	[tilespmem:$0x12C00] =	vst v63  }
0xa1: {  	_ =	swait.ge @p0 [sflag:s26], $0x3200  }
0xa2: {  	[sflag:s26] =	ssyncset.done @p0 $0x0  }
0xa3: {  	s22 =	sadd.s32 @p0 $0x190, s1;
	s24 =	simm.s32 @p0 $0xC800;
	[sflag:s26] =	ssyncadd.s32 @p0 $0xFFFFCE00  }
0xa4: {  	[tilespmem:s24], [sflag:$0x3] =	stream.indirect.gather @p0 [hbm4b:s5+s25], $0x40, s22, s25, $0xb8;
	[tilespmem:$0x12C00] =	vst v63  }
0xa5: {  	s1 =	sadd.s32 @p0 $0x1F8, s1;
	s22 =	simm.s32 @p0 $0xE200;
	s24 =	simm.s32 @p0 $0x8  }
0xa6: {  	[tilespmem:s22], [sflag:$0x3] =	stream.indirect.gather @p0 [hbm4b:s5+s28], $0x40, s1, s28, $0xb8;
	[tilespmem:$0x12C00] =	vst v63  }
0xa7: {  	_ =	swait.ge @p0 [sflag:s24], $0x3200  }
0xa8: {  	s1 =	simm.s32 @!p0 $0x6400;
	[sflag:s24] =	ssyncset.done @p0 $0x0  }
0xa9: {  	s22 =	sshra.s32 @!p0 s23, $0x2;
	s23 =	simm.s32 @!p0 $0x68;
	[sflag:s24] =	ssyncadd.s32 @p0 $0xFFFFCE00  }
0xaa: {  	[tilespmem:s1], [sflag:$0x1] =	stream.indirect.gather @!p0 [hbm4b:s5+s23], $0x40, s22, s23, $0xb8;
	[tilespmem:$0x12C00] =	vst v63  }
0xab: {  	s24 =	simm.s32 @!p0 $0x7E00;
	s1 =	sadd.s32 @!p0 $0x68, s22;
	s22 =	simm.s32 @!p0 $0x60  }
0xac: {  	[tilespmem:s24], [sflag:$0x1] =	stream.indirect.gather @!p0 [hbm4b:s5+s22], $0x40, s1, s22, $0xb8;
	[tilespmem:$0x12C00] =	vst v63  }
0xad: {  	s26 =	simm.s32 @!p0 $0xB000;
	s1 =	simm.s32 @!p0 $0xC8;
	s24 =	simm.s32 @!p0 $0x9600  }
0xae: {  	[tilespmem:s24], [sflag:$0x2] =	stream.indirect.gather @!p0 [hbm4b:s5+s23], $0x40, s1, s23, $0xb8;
	[tilespmem:$0x12C00] =	vst v63  }
0xaf: {  	s25 =	simm.s32 @!p0 $0xE200;
	s1 =	smov.u32 s20;
	s24 =	simm.s32 @!p0 $0x130  }
0xb0: {  	[tilespmem:s26], [sflag:$0x2] =	stream.indirect.gather @!p0 [hbm4b:s5+s22], $0x40, s24, s22, $0xb8;
	[tilespmem:$0x12C00] =	vst v63  }
0xb1: {  	s1 =	simm.s32 @!p0 $0x3;
	s24 =	simm.s32 @!p0 $0x190;
	s26 =	simm.s32 @!p0 $0xC800  }
0xb2: {  	[tilespmem:s26], [sflag:$0x3] =	stream.indirect.gather @!p0 [hbm4b:s5+s23], $0x40, s24, s23, $0xb8;
	[tilespmem:$0x12C00] =	vst v63  }
0xb3: {  	s29 =	rddreg [dreg:$0x5];
	s30 =	smul.u32 $0x320, s1;
	s23 =	simm.s32 @!p0 $0x1F8  }
0xb4: {  	[tilespmem:s25], [sflag:$0x3] =	stream.indirect.gather @!p0 [hbm4b:s5+s22], $0x40, s23, s22, $0xb8;
	[tilespmem:$0x12C00] =	vst v63  }
0xb5: {  	s31 =	rddreg [dreg:$0x3];
	s24 =	sshra.s32 s30, $0x2  }
0xb6: {  	[tilespmem:s10], [sflag:$0x4] =	stream.indirect.gather [hbm4b:s5+s31], $0x40, s24, s31, $0xb8;
	[tilespmem:$0x12C00] =	vst v63  }
0xb7: {  	s25 =	rddreg [dreg:$0x4];
	s22 =	sadd.s32 $0x68, s24  }
0xb8: {  	[tilespmem:s25], [sflag:$0x4] =	stream.indirect.gather [hbm4b:s5+s29], $0x40, s22, s29, $0xb8;
	[tilespmem:$0x12C00] =	vst v63  }
0xb9: {  	_ =	swait.ge [sflag:s11], $0x1A00  }
0xba: {  	[sflag:s11] =	ssyncset.done $0x0  }
0xbb: {  	[sflag:s11] =	ssyncadd.s32 $0xFFFFE600  }
0xbc: {  	_ =	swait.ge [sflag:s11], $0x1800  }
0xbd: {  	[sflag:s11] =	ssyncset.done $0x0  }
0xbe: {  	s29 =	rddreg [dreg:$0x6];
	[sflag:s11] =	ssyncadd.s32 $0xFFFFE800  }
0xbf: {  	[hbm4b:s21+s3] =	stream.linear.scatter [tilespmem:s29], [sflag:$0x5], $0x3200, $0x38;
	[tilespmem:$0x12C00] =	vst v63  }
0xc0: {  	s21 =	sadd.s32 @p0 $0xFFFFFFFE, s20;
	_ =	swait.ge [sflag:s12], $0x1A00  }
0xc1: {  	s21 =	simm.s32 @!p0 $0x1;
	[sflag:s12] =	ssyncset.done $0x0  }
0xc2: {  	s21 =	sadd.s32 s4, s21;
	[sflag:s12] =	ssyncadd.s32 $0xFFFFE600  }
0xc3: {  	s21 =	smul.u32 $0x640, s21;
	_ =	swait.ge [sflag:s12], $0x1800  }
0xc4: {  	[sflag:s12] =	ssyncset.done $0x0  }
0xc5: {  	s30 =	rddreg [dreg:$0x7];
	s21 =	sadd.s32 s2, s21;
	[sflag:s12] =	ssyncadd.s32 $0xFFFFE800  }
0xc6: {  	[hbm4b:s21+s3] =	stream.linear.scatter [tilespmem:s30], [sflag:$0x6], $0x3200, $0x38;
	[tilespmem:$0x12C00] =	vst v63  }
0xc7: {  	s20 =	sadd.s32 @p0 $0xFFFFFFFF, s20;
	_ =	swait.ge [sflag:s13], $0x1A00  }
0xc8: {  	s20 =	simm.s32 @!p0 $0x2;
	[sflag:s13] =	ssyncset.done $0x0  }
0xc9: {  	s20 =	sadd.s32 s4, s20;
	[sflag:s13] =	ssyncadd.s32 $0xFFFFE600  }
0xca: {  	s20 =	smul.u32 $0x640, s20;
	_ =	swait.ge [sflag:s13], $0x1800  }
0xcb: {  	[sflag:s13] =	ssyncset.done $0x0  }
0xcc: {  	s20 =	sadd.s32 s2, s20;
	s31 =	rddreg [dreg:$0x8];
	[sflag:s13] =	ssyncadd.s32 $0xFFFFE800  }
0xcd: {  	[hbm4b:s20+s3] =	stream.linear.scatter [tilespmem:s31], [sflag:$0x7], $0x3200, $0x38;
	[tilespmem:$0x12C00] =	vst v63  }
0xce: {  	_ =	swait.ge [sflag:s14], $0x1A00  }
0xcf: {  	[sflag:s14] =	ssyncset.done $0x0  }
0xd0: {  	s1 =	sadd.s32 s4, s1;
	[sflag:s14] =	ssyncadd.s32 $0xFFFFE600  }
0xd1: {  	s1 =	smul.u32 $0x640, s1;
	_ =	swait.ge [sflag:s14], $0x1800  }
0xd2: {  	[sflag:s14] =	ssyncset.done $0x0  }
0xd3: {  	s1 =	sadd.s32 s2, s1;
	[sflag:s14] =	ssyncadd.s32 $0xFFFFE800  }
0xd4: {  	[hbm4b:s1+s3] =	stream.linear.scatter [tilespmem:s10], [sflag:$0x8], $0x3200, $0x38;
	[tilespmem:$0x12C00] =	vst v63  }
0xd5: {  	_ =	swait.ge [sflag:s15], $0x3200  }
0xd6: {  	[sflag:s15] =	ssyncset.done $0x0  }
0xd7: {  	[sflag:s15] =	ssyncadd.s32 $0xFFFFCE00  }
0xd8: {  	_ =	swait.ge [sflag:s16], $0x3200  }
0xd9: {  	[sflag:s16] =	ssyncset.done $0x0  }
0xda: {  	s19 =	sadd.s32 $0x1, s19;
	[sflag:s16] =	ssyncadd.s32 $0xFFFFCE00  }
0xdb: {  	p0 =	sne.s32 s19, s7;
	_ =	swait.ge [sflag:s17], $0x3200  }
.Ltmp1:
0xdc: {  	[sflag:s17] =	ssyncset.done $0x0;
	(pc) =	sbr.rel @p0 .LBB2_1-.Ltmp1, $4  }
0xdd: {  	[sflag:s17] =	ssyncadd.s32 $0xFFFFCE00  }
0xde: {  	_ =	swait.ge [sflag:s18], $0x3200  }
0xdf: {  	[sflag:s18] =	ssyncset.done $0x0  }
0xe0: {  	[sflag:s18] =	ssyncadd.s32 $0xFFFFCE00  }
0xe1: {  	_ =	sfence.sel $0x180000  }
0xe2: {  	[bflag:$0x0] =	sbarrier.arrive $0xFFFF  }
0xe3: {  	_ =	strace $0x90000047  }
0xe4: {  	[bflag:$0x2] =	sbarrier.arrive $0xFFFF  }
0xe5: {  	p0 =	sne.s32 s0, $0x0;
	s0 =	rddreg [dreg:$0x2]  }
0xe6: {  	s0 =	sadd.s32 @!p0 $0x100000, s0  }
0xe7: {  	[sflag:s0] =	ssyncadd.tile.s32 @!p0 $0x1;
	_ =	shalt  }
.Lfunc_end2:
_tile_overlayer_lowered:
.L_overlay_start_2:
0xe8: {  	(tag) =	ssettag $0x2  }
0xe9: {  	s0 =	rddreg [dreg:$0x0];
	s2 =	stileid.u32  }
0xea: {  	s1 =	rddreg [dreg:$0x1];
	p0 =	sne.s32 s2, $0x0  }
0xeb: {  	s3 =	rddreg [dreg:$0x2];
	[bflag:$0x3] =	sbarrier.arrive $0xFFFF;
	s2 =	simm.s32 @!p0 $0x1C09  }
0xec: {  	[timem:s3], [sflag:s2] =	dma.local @!p0 [hbm:s0], s1  }
0xed: {  	s0 =	simm.s32 @!p0 $0x9  }
0xee: {  	_ =	swait.ge @!p0 [sflag:s0], s1  }
0xef: {  	s1 =	ssub.s32 @!p0 $0x0, s1;
	[sflag:s0] =	ssyncset.done @!p0 $0x0  }
0xf0: {  	[sflag:s0] =	ssyncadd.s32 @!p0 s1  }
0xf1: {  	[bflag:$0x3] =	sbarrier.arrive $0xFFFF  }
0xf2: {  	_ =	shalt  }

// kernel: sparse-core-data-format-call.cloned.1.call-start
scs
called_computation_lowered:
.L_overlay_start_0:
0x0: {  	s2 =	sld [smem:$0x3FD9]  }
0x1: {  	s3 =	sld [smem:$0x3FFE];
	_ =	sdelay $0x1  }
0x2: {  	s1 =	srdreg.scid  }
0x3: {  	s0 =	sand.u32 $0x1, s1  }
0x4: {  	s18 =	sshll.u32 s0, $0xA;
	s2 =	sadd.s32 s3, s2  }
0x5: {  	s2 =	sadd.s32 s2, s18  }
0x6: {  	[smem:$0x3FC6] =	sst s2  }
0x7: {  	_ = 	snop  }
0x8: {  	s2 =	sld [smem:$0x3FD0];
	(tm) =	ssettm $0x1  }
0x9: {  	s19 =	sld [smem:$0x3FFB];
	_ =	sdelay $0x3  }
0xa: {  	_ =	strace s19  }
0xb: {  	s3 =	sld [smem:$0x3FFC];
	_ =	sdelay $0x3  }
0xc: {  	_ =	strace s3  }
0xd: {  	s3 =	sld [smem:$0x3FFD];
	_ =	sdelay $0x3  }
0xe: {  	_ =	strace s3  }
0xf: {  	_ =	strace $0x8FFFFFFF  }
0x10: {  	s20 =	sld [smem:$0x3FDB];
	_ =	sdelay $0x1  }
0x11: {  	s4 =	simm.s32 $_scs_section_size  }
0x12: {  	s5 =	simm.s32 $_size__tile_overlayer_lowered;
	s6 =	simm.s32 $_tile_overlayer_lowered  }
0x13: {  	s23 =	simm.s32 $0x1BFF;
	s22 =	sshll.u32 s6, $0x1;
	s3 =	sadd.s32 s4, s20  }
0x14: {  	s7 =	simm.s32 $0x0;
	s21 =	sshll.u32 s5, $0x1;
	s5 =	sadd.s32 s22, s3  }
0x15: {  	[timem:s7], [sflag:s23] =	dma.local [hbm:s5], s21  }
0x16: {  	_ =	swait.ge [sflag:s23], s21  }
0x17: {  	s4 =	ssub.s32 $0x0, s21;
	[sflag:s23] =	ssyncset.done $0x0  }
0x18: {  	[sflag:s23] =	ssyncadd.s32 s4;
	_ =	sdelay $0x1  }
0x19: {  	s24 =	simm.s32 $0x1B8B  }
0x1a: {  	_ =	swait.ge [sflag:s24], $0x1  }
0x1b: {  	[sflag:s24] =	ssyncset.done $0x0  }
0x1c: {  	s26 =	simm.s32 $0x1B8E;
	s25 =	sld [smem:$0x3FFE];
	[sflag:s24] =	ssyncadd.s32 $0xFFFFFFFF  }
0x1d: {  	s27 =	simm.s32 $execute0_lowered;
	[smem:$0x3FD2] =	sst s26  }
0x1e: {  	s5 =	sshll.u32 s27, $0x1;
	_ =	strace $0x80000049;
	[dreg:$0x1] =	wrdreg $0xFFFFFFFF  }
0x1f: {  	s28 =	simm.s32 $_size_execute0_lowered;
	s3 =	sadd.s32 s3, s5;
	[dreg:$0x0] =	wrdreg $0x0  }
0x20: {  	s5 =	sshll.u32 s28, $0x1;
	[dreg:$0x2] =	wrdreg s3  }
0x21: {  	[dreg:$0x3] =	wrdreg s5  }
0x22: {  	[dreg:$0x4] =	wrdreg $0xC0  }
0x23: {  	_ =	task [dreg:s7], $0x5FFFF  }
0x24: {  	[dreg:$0x1] =	wrdreg $0xFFFFFFFF  }
0x25: {  	[dreg:$0x0] =	wrdreg $0x60  }
0x26: {  	[dreg:$0x2] =	wrdreg s25  }
0x27: {  	[dreg:$0x3] =	wrdreg s2  }
0x28: {  	[dreg:$0x4] =	wrdreg $0x9  }
0x29: {  	_ =	task.clear_ibuf [dreg:s7], $0x5FFFF;
	_ =	strace $0x90000049  }
0x2a: {  	s29 =	simm.s32 $0x9;
	_ =	strace $0x8000004B  }
0x2b: {  	_ =	swait.ge [sflag:s29], $0x1  }
0x2c: {  	[sflag:s29] =	ssyncadd.s32 $0xFFFFFFFF  }
0x2d: {  	_ =	strace $0x9000004B  }
0x2e: {  	_ =	sfence  }
0x2f: {  	s30 =	sld [smem:$0x0];
	_ =	sdelay $0x2  }
0x30: {  	s31 =	sshll.u32 s1, $0xD;
	s1 =	sshrl.u32 s1, $0x2  }
0x31: {  	s3 =	sand.u32 $0x4000, s31;
	s1 =	sadd.s32 s1, s30  }
0x32: {  	s0 =	sor.u32 s3, s0;
	s1 =	sshll.u32 s1, $0x11  }
0x33: {  	s0 =	sor.u32 s1, s0  }
0x34: {  	s0 =	sadd.s32 $0x8F2B, s0  }
0x35: {  	[sflag:s0] =	ssyncadd.remote.s32 $0x1  }
0x36: {  	_ =	sfence.sel $0xFFFF  }
0x37: {  	[dreg:$0x0] =	wrdreg $0xFFFFFFFF;
	(pc) =	sbr.abs _section_cstart, $3  }
0x38: {  	[dreg:$0x1] =	wrdreg $0xFFFFFFFF  }
0x39: {  	_ =	task.clear_ibuf [dreg:s7], $0x2FFFF;
	_ =	strace $0x9FFFFFFF  }
0x3a: {  	(tm) =	ssettm $0x7FFFFFFF  }
0x3b: {  	_ =	shalt  }
tec
execute0_lowered:
.L_overlay_start_1:
0x0: {  	(tag) =	ssettag $0x1  }
0x1: {  	s0 =	srdreg.scid  }
0x2: {  	s1 =	sshll.u32 s0, $0x4  }
0x3: {  	s0 =	stileid.u32;
	s1 =	sand.u32 $0x10, s1  }
0x4: {  	s1 =	sor.u32 s0, s1  }
0x5: {  	s6 =	rddreg [dreg:$0x0];
	s4 =	simm.s32 $0x1;
	s2 =	sshll.u32 s1, $0x7  }
0x6: {  	s7 =	simm.s32 $0x2;
	s12 =	simm.s32 $0x0;
	s1 =	ssub.s32 $0x1000, s2  }
0x7: {  	s8 =	simm.s32 $0x8000;
	s13 =	simm.s32 $0x0;
	s3 =	sand.u32 $0xF80, s1  }
0x8: {  	s9 =	simm.s32 $0x0;
	s5 =	sshrl.u32 s1, $0xC;
	p0 =	sne.s32 s3, $0x0  }
.Ltmp0:
0x9: {  	s1 =	rddreg [dreg:$0x2];
	s4 =	simm.s32 @!p0 $0x0;
	(pc) =	sbr.rel .LBB1_1-.Ltmp0, $4  }
0xa: {  	s11 =	simm.s32 $0x0;
	s3 =	rddreg [dreg:$0x1];
	s5 =	sadd.s32 s4, s5  }
0xb: {  	_ =	strace $0x8000004A;
	s4 =	simm.s32 $0x1;
	s5 =	smul.u32 $0xC8, s5  }
0xc: {  	s6 =	sadd.s32 $0xA00, s6;
	s10 =	smov.u32 s2;
	[sflag:s4] =	ssyncpa.u1 $0x0  }
0xd: {  	p0 =	por $0x0, $0x0;
	[sflag:s7] =	ssyncpa.u1 $0x0;
	s7 =	sor.u32 $0x1, s5  }
.LBB1_4:
0xe: {  	s16 =	sshll.u32 s13, $0x3;
	s17 =	sand.u32 $0x78, s13  }
0xf: {  	s30 =	sand.u32 $0x7E00, s13;
	s12 =	sshll.u32 s12, $0xF;
	s16 =	sand.u32 $0xC00, s16  }
0x10: {  	[tilespmem:s15+$0x810 ss:$0x81] =	vst.msk $0xffff, v2;
	s31 =	sand.u32 $0x7, s13;
	s16 =	sor.u32 s17, s16;
	s17 =	sadd.s32 s3, s30  }
0x11: {  	[tilespmem:s15+$0x1020 ss:$0x81] =	vst.msk $0xffff, v0;
	s13 =	sshll.u32 s31, $0x12;
	s12 =	sadd.s32 s12, s17;
	s16 =	sshrl.u32 s16, $0x3  }
0x12: {  	[tilespmem:s15+$0x0 ss:$0x81] =	vst.msk $0xffff, v1;
	s13 =	sor.u32 $0x400, s13;
	s12 =	sadd.s32 s16, s12  }
0x13: {  	[hbm4b:s12+s13] =	stream.strided.scatter [tilespmem:s14], [sflag:$0x2], $0x2000, s8, s13, $0x20;
	[tilespmem:$0x8080] =	vst v63  }
.LBB1_5:
0x14: {  	s14 =	sadd.s32 $0x1, s9  }
0x15: {  	s12 =	sadd.s32 $0x1000, s10;
	s16 =	smov.u32 s10;
	p2 =	sgt.s32 s14, $0xC7  }
0x16: {  	s16 =	smov.u32 @p2 s12  }
0x17: {  	s14 =	simm.s32 @p2 $0x0;
	p2 =	sgt.s32 s16, $0xFFF  }
0x18: {  	s16 =	smov.u32 @p2 s2;
	p2 =	sne.s32 s11, s7  }
.Ltmp1:
0x19: {  	p1 =	slt.u32 s11, $0x2;
	(pc) =	sbr.rel @!p2 .LBB1_6-.Ltmp1, $4  }
0x1a: {  	s15 =	simm.s32 @!p1 $0x2  }
0x1b: {  	s13 =	smov.u32 s10;
	p0 =	por !p0, !p0;
	_ =	swait.ge @!p1 [sflag:s15], $0x2000  }
0x1c: {  	s12 =	smov.u32 s9;
	[sflag:s15] =	ssyncset.done @!p1 $0x0;
	s9 =	smov.u32 s14  }
0x1d: {  	s11 =	sadd.s32 $0x1, s11;
	[sflag:s15] =	ssyncadd.s32 @!p1 $0xFFFFE000;
	s10 =	smov.u32 s16  }
.LBB1_1:
0x1e: {  	p1 =	sge.u32 s11, s5  }
0x1f: {  	s14 =	sand.u32 @!p1 $0x1FFFFFF, s9  }
0x20: {  	s15 =	smulhi.u32 @!p1 $0x147AE15, s14;
	_ =	sdelay $0x1  }
0x21: {  	s15 =	smul.u32 @!p1 $0xC8, s15  }
0x22: {  	s16 =	sxor.u32 @!p1 $0xFFFFFFFF, s11;
	s17 =	smul.u32 @!p1 $0xC80, s10  }
0x23: {  	s31 =	sadd.s32 $0xFFFFFFFF, s11;
	s16 =	sshll.u32 @!p1 s16, $0xD;
	s14 =	ssub.s32 @!p1 s14, s15  }
0x24: {  	s15 =	sand.u32 @!p1 $0x2000, s16;
	s16 =	sadd.s32 @!p1 s6, s17;
	s14 =	sshll.u32 @!p1 s14, $0x4  }
0x25: {  	s17 =	simm.s32 @!p1 $0x6400;
	s14 =	sadd.s32 @!p1 s14, s16;
	s16 =	simm.s32 @!p1 $0x40  }
0x26: {  	[tilespmem:s15], [sflag:$0x1] =	stream.strided.gather @!p1 [hbm4b:s14+s16], $0x2000, s17, s16, $0x38;
	[tilespmem:$0x8080] =	vst v63  }
0x27: {  	p1 =	sge.u32 s31, s5  }
.Ltmp2:
0x28: {  	_ = 	snop;
	(pc) =	sbr.rel @p1 .LBB1_5-.Ltmp2, $1  }
0x29: {  	_ =	sdelay $0x3  }
0x2a: {  	s14 =	simm.s32 $0x1  }
0x2b: {  	_ =	swait.ge [sflag:s4], $0x2000;
	s14 =	simm.s32 @!p0 $0x0  }
0x2c: {  	[sflag:s4] =	ssyncset.done $0x0;
	s15 =	sshll.u32 s14, $0xD  }
0x2d: {  	[sflag:s4] =	ssyncadd.s32 $0xFFFFE000;
	s18 =	sor.u32 $0x20, s15  }
0x2e: {  	s14 =	smul.u32 $0x8100, s14;
	v3 =	vld [tilespmem:s18+$0x10]  }
0x2f: {  	s30 =	sand.u32 $0x1, s11;
	v2 =	vld [tilespmem:s18+$0xFFFFFFF0]  }
0x30: {  	s15 =	smul.u32 $0x8100, s30;
	s14 =	sshrl.u32 s14, $0x2;
	v0 =	vld [tilespmem:s18+$0x0]  }
0x31: {  	v1 =	vld [tilespmem:s18+$0xFFFFFFE0];
	s16 =	sor.u32 $0x4000, s14  }
0x32: {  	s31 =	sshrl.u32 s15, $0x2;
	s15 =	sadd.s32 $0x0, s16  }
0x33: {  	s17 =	simm.s32 $0x4;
	s18 =	sadd.s32 $0x40, s18;
	s14 =	sor.u32 $0x4000, s31;
	[tilespmem:s15+$0x1830 ss:$0x81] =	vst.msk $0xffff, v3  }
.LBB1_3:
0x34: {  	v3 =	vld [tilespmem:s18+$0x10];
	p1 =	sne.s32 s17, $0x1FC;
	[tilespmem:s15+$0x810 ss:$0x81] =	vst.msk $0xffff, v2;
	s19 =	smov.u32 s17;
	s17 =	sadd.s32 $0x4, s17  }
.Ltmp3:
0x35: {  	v2 =	vld [tilespmem:s18+$0xFFFFFFF0];
	[tilespmem:s15+$0x1020 ss:$0x81] =	vst.msk $0xffff, v0;
	(pc) =	sbr.rel @p1 .LBB1_3-.Ltmp3, $4  }
0x36: {  	v0 =	vld [tilespmem:s18+$0x0];
	[tilespmem:s15+$0x0 ss:$0x81] =	vst.msk $0xffff, v1  }
0x37: {  	s15 =	sshra.s32 s19, $0x2;
	v1 =	vld [tilespmem:s18+$0xFFFFFFE0]  }
0x38: {  	s15 =	sadd.s32 s15, s16  }
0x39: {  	s18 =	sadd.s32 $0x40, s18;
	[tilespmem:s15+$0x1830 ss:$0x81] =	vst.msk $0xffff, v3  }
.Ltmp4:
0x3a: {  	_ = 	snop;
	(pc) =	sbr.rel .LBB1_4-.Ltmp4, $1  }
0x3b: {  	_ =	sdelay $0x3  }
.LBB1_6:
0x3c: {  	_ =	sfence.sel $0x180000  }
0x3d: {  	s2 =	simm.s32 $0x1;
	[bflag:$0x0] =	sbarrier.arrive $0xFFFF  }
0x3e: {  	s31 =	simm.s32 $0x2;
	[sflag:s2] =	ssyncpa.u1 $0x1  }
0x3f: {  	[sflag:s31] =	ssyncpa.u1 $0x1  }
0x40: {  	p0 =	sne.s32 s0, $0x0;
	_ =	strace $0x9000004A  }
0x41: {  	s0 =	sadd.s32 @!p0 $0x100000, s1;
	[bflag:$0x2] =	sbarrier.arrive $0xFFFF  }
0x42: {  	[sflag:s0] =	ssyncadd.tile.s32 @!p0 $0x1;
	_ =	shalt  }
.Lfunc_end1:
_tile_overlayer_lowered:
.L_overlay_start_2:
0x43: {  	(tag) =	ssettag $0x2  }
0x44: {  	s0 =	rddreg [dreg:$0x0];
	s2 =	stileid.u32  }
0x45: {  	s1 =	rddreg [dreg:$0x1];
	p0 =	sne.s32 s2, $0x0  }
0x46: {  	s3 =	rddreg [dreg:$0x2];
	[bflag:$0x3] =	sbarrier.arrive $0xFFFF;
	s2 =	simm.s32 @!p0 $0x1C01  }
0x47: {  	[timem:s3], [sflag:s2] =	dma.local @!p0 [hbm:s0], s1  }
0x48: {  	s0 =	simm.s32 @!p0 $0x1  }
0x49: {  	_ =	swait.ge @!p0 [sflag:s0], s1  }
0x4a: {  	s1 =	ssub.s32 @!p0 $0x0, s1;
	[sflag:s0] =	ssyncset.done @!p0 $0x0  }
0x4b: {  	[sflag:s0] =	ssyncadd.s32 @!p0 s1  }
0x4c: {  	[bflag:$0x3] =	sbarrier.arrive $0xFFFF  }
0x4d: {  	_ =	shalt  }

</sc_bundles>
